<compile_context>
chip_gen: v7x
topology: tpu7x:2x2x1
jax: 0.10.2.dev20260603
libtpu: 0.0.44.dev20260713+nightly
codegen_flags: <defaults>
</compile_context>

<pallas_src>
import functools

import jax
import jax.numpy as jnp
from jax import lax
from jax.experimental import pallas as pl
from jax.experimental.pallas import tpu as pltpu
from jax.experimental.pallas import tpu_sc as plsc

_IGNORE = -1
_TOPK = 5


def _sc_count(yt_pad, yp2d, row0):
    info = plsc.get_sparse_core_info()
    nc, ns, L = info.num_cores, info.num_subcores, info.num_lanes
    nw = nc * ns
    B, vocab = yp2d.shape
    nv = vocab // L
    q = (B - row0) // nw
    mesh = plsc.VectorSubcoreMesh(core_axis_name="c", subcore_axis_name="s")

    @functools.partial(
        pl.kernel,
        mesh=mesh,
        out_type=jax.ShapeDtypeStruct((B - row0, L), jnp.float32),
        scratch_types=[
            pltpu.VMEM((L,), jnp.int32),
            pltpu.VMEM((vocab,), jnp.float32),
            pltpu.VMEM((L,), jnp.float32),
        ],
    )
    def k(yt_hbm, yp_hbm, out_hbm, t_v, row_v, a_v):
        wid = lax.axis_index("s") * nc + lax.axis_index("c")
        base = row0 + wid * q
        albase = (base // 8) * 8
        off0 = base - albase
        pltpu.sync_copy(yt_hbm.at[pl.ds(albase, L)], t_v)
        iota = lax.iota(jnp.int32, L)
        for k_i in range(q):
            idx = off0 + k_i
            t = jnp.int32(0)
            for i in range(L):
                t = jnp.where(idx == i, t_v[...][i], t)
            tcl = jnp.clip(t, 0, vocab - 1)
            pltpu.sync_copy(yp_hbm.at[base + k_i], row_v)
            jt = tcl // L
            off = tcl - jt * L
            xb = row_v[pl.ds(jt * L, L)]
            v_s = jnp.float32(0)
            for i in range(L):
                v_s = jnp.where(off == i, xb[i], v_s)
            v = jnp.full((L,), v_s, jnp.float32)

            def body(j, a):
                xv = row_v[pl.ds(j * L, L)]
                below = jnp.where(j < jt, jnp.float32(1), jnp.float32(0))
                return (a + jnp.where(xv > v, 1.0, 0.0)
                        + jnp.where(xv == v, below, jnp.float32(0)))

            colb = jt * L + iota
            acc = (jnp.where(xb == v, 1.0, 0.0)
                   * jnp.where(colb < tcl, 1.0, 0.0))
            acc = lax.fori_loop(0, nv, body, acc, unroll=8)
            a_v[...] = acc
            pltpu.sync_copy(a_v, out_hbm.at[base - row0 + k_i])

    return k(yt_pad, yp2d)


def _tc_body(nblocks, vocab, t_ref, yp_ref, out_ref, acc_ref):
    i = pl.program_id(0)

    @pl.when(i == 0)
    def _init():
        acc_ref[0] = 0.0
        acc_ref[1] = 0.0

    x = yp_ref[...]
    tt = t_ref[...]
    tcl = jnp.clip(tt, 0, vocab - 1)
    col = lax.broadcasted_iota(jnp.int32, x.shape, 1)
    vv = jnp.sum(jnp.where(col == tcl, x, 0.0),
                 axis=1, keepdims=True)
    beats = jnp.logical_or(
        x > vv, jnp.logical_and(x == vv, col < tcl))
    rank = jnp.sum(beats.astype(jnp.float32), axis=1, keepdims=True)
    valid = tt != _IGNORE
    hit = jnp.logical_and(rank < float(_TOPK), valid)
    acc_ref[0] += jnp.sum(hit.astype(jnp.float32))
    acc_ref[1] += jnp.sum(valid.astype(jnp.float32))

    @pl.when(i == nblocks - 1)
    def _fini():
        out_ref[0, 0] = acc_ref[0]
        out_ref[0, 1] = acc_ref[1]


def kernel(y_true, y_pred):
    B = y_true.size
    vocab = y_pred.shape[-1]
    yt = y_true.reshape(B).astype(jnp.int32)
    yp2d = y_pred.reshape(B, vocab)

    ROW0 = 928
    yt_pad = jnp.pad(yt, (0, 16))
    sc = _sc_count(yt_pad, yp2d, ROW0)

    R = 32
    nblocks = ROW0 // R
    tc = pl.pallas_call(
        functools.partial(_tc_body, nblocks, vocab),
        grid=(nblocks,),
        in_specs=[
            pl.BlockSpec((R, 1), lambda i: (i, 0)),
            pl.BlockSpec((R, vocab), lambda i: (i, 0)),
        ],
        out_specs=pl.BlockSpec((1, 2), lambda i: (0, 0),
                               memory_space=pltpu.SMEM),
        out_shape=jax.ShapeDtypeStruct((1, 2), jnp.float32),
        scratch_shapes=[pltpu.SMEM((2,), jnp.float32)],
    )(yt.reshape(B, 1), yp2d)

    rank_sc = jnp.sum(sc, axis=1)
    valid_sc = yt[ROW0:] != _IGNORE
    hit_sc = jnp.logical_and(rank_sc < float(_TOPK), valid_sc)
    hits = tc[0, 0] + jnp.sum(hit_sc.astype(jnp.float32))
    nval = tc[0, 1] + jnp.sum(valid_sc.astype(jnp.float32))
    return 100.0 * hits / nval

# --- scband reference (transcript-rebuilt; emitter-appended) ---
"""Pipeline reference for scband-categorical-accuracy-top-k-88218628260749 (READ-ONLY COPY).

The authoritative reference and input builder live on the scoring server;
editing this copy changes nothing except your own understanding.
"""

import jax, jax.numpy as jnp
import numpy as np

IGNORE_INDEX = -1
TOPK = 5

def setup_inputs(seed: int = 0) -> dict:
    key = jax.random.key(seed)
    k1, k2 = jax.random.split(key)
    y_true = jax.random.randint(k1, (32, 32), 0, 100000, dtype=jnp.int64) if jax.config.jax_enable_x64 else jax.random.randint(k1, (32, 32), 0, 100000, dtype=jnp.int32)
    y_pred = jax.random.normal(k2, (32, 32, 100000), dtype=jnp.float32)
    return {"y_true": y_true, "y_pred": y_pred}

def reference(y_true, y_pred):
    # mask out ignored labels
    mask = jnp.where(y_true == IGNORE_INDEX, 0.0, 1.0)
    n = jnp.count_nonzero(mask)
    # top-k along last dim (dim_topk = -1), largest, sorted
    values, indices = jax.lax.top_k(y_pred, TOPK)
    # y_true.unsqueeze(-1).repeat(1, 1, topk)
    yt = jnp.repeat(y_true[..., None], TOPK, axis=-1)
    acc = jnp.where(yt == indices, 1.0, 0.0).sum(axis=-1)
    acc = acc * mask
    acc = 100.0 * acc.sum() / n
    return acc

if __name__ == "__main__":
    import jax
    _d = setup_inputs()
    print(jax.jit(kernel)(*tuple(_d.values())))

</pallas_src>

<mosaic_0001>
#map = affine_map<(d0, d1) -> (0)>
#map1 = affine_map<(d0, d1) -> (0, 0)>
module attributes {stable_mosaic.version = 14 : i64} {
  func.func @k(%arg0: i32, %arg1: i32, %arg2: memref<1040xi32, #tpu.memory_space<hbm>>, %arg3: memref<1024x100000xf32, #tpu.memory_space<hbm>>, %arg4: memref<96x16xf32, #tpu.memory_space<hbm>>, %arg5: memref<16xi32, #tpu.memory_space<vmem>>, %arg6: memref<100000xf32, #tpu.memory_space<vmem>>, %arg7: memref<16xf32, #tpu.memory_space<vmem>>) attributes {dimension_semantics = [#tpu.dimension_semantics<core_parallel>, #tpu.dimension_semantics<subcore_parallel>], iteration_bounds = array<i64: 2, 16>, scalar_prefetch = 0 : i64, scratch_operands = 3 : i64, tpu.core_type = #tpu.core_type<sc_vector_subcore>, window_params = [{transform_indices = #map}, {transform_indices = #map1}, {transform_indices = #map1}]} {
    %mul3A = arith.constant 2 : i32
    %mul3A_0 = arith.muli %arg1, %mul3A : i32
    %add3A = arith.addi %mul3A_0, %arg0 : i32
    %mul3A_1 = arith.constant 3 : i32
    %mul3A_2 = arith.muli %add3A, %mul3A_1 : i32
    %add3A_3 = arith.constant 928 : i32
    %add3A_4 = arith.addi %add3A_3, %mul3A_2 : i32
    %jit3A = arith.constant 8 : i32
    %div3A = arith.divsi %add3A_4, %jit3A : i32
    %sign3A = arith.constant 0 : i32
    %sign3A_5 = arith.cmpi sgt, %add3A_4, %sign3A : i32
    %sign3A_6 = arith.extui %sign3A_5 : i1 to i32
    %sign3A_7 = arith.constant 0 : i32
    %sign3A_8 = arith.cmpi slt, %add3A_4, %sign3A_7 : i32
    %sign3A_9 = arith.extui %sign3A_8 : i1 to i32
    %sign3A_10 = arith.subi %sign3A_6, %sign3A_9 : i32
    %sign3A_11 = arith.constant 0 : i32
    %sign3A_12 = arith.cmpi sgt, %jit3A, %sign3A_11 : i32
    %sign3A_13 = arith.extui %sign3A_12 : i1 to i32
    %sign3A_14 = arith.constant 0 : i32
    %sign3A_15 = arith.cmpi slt, %jit3A, %sign3A_14 : i32
    %sign3A_16 = arith.extui %sign3A_15 : i1 to i32
    %sign3A_17 = arith.subi %sign3A_13, %sign3A_16 : i32
    %ne3A = arith.cmpi ne, %sign3A_10, %sign3A_17 : i32
    %rem3A = arith.remsi %add3A_4, %jit3A : i32
    %ne3A_18 = arith.constant 0 : i32
    %ne3A_19 = arith.cmpi ne, %rem3A, %ne3A_18 : i32
    %and3A = arith.andi %ne3A, %ne3A_19 : i1
    %sub3A = arith.constant 1 : i32
    %sub3A_20 = arith.subi %div3A, %sub3A : i32
    %select_n3A = arith.select %and3A, %sub3A_20, %div3A : i32
    %mul3A_21 = arith.constant 8 : i32
    %mul3A_22 = arith.muli %select_n3A, %mul3A_21 : i32
    %sub3A_23 = arith.subi %add3A_4, %mul3A_22 : i32
    "tpu.region"() ({
      %run_scoped3A = tpu.sem_alloc : memref<!tpu.dma_semaphore, #tpu.memory_space<semaphore_mem>>
      %dma_start3A = tpu.memref_slice %arg2[%mul3A_22] : memref<1040xi32, #tpu.memory_space<hbm>> -> memref<16xi32, #tpu.memory_space<hbm>>
      %dma_start3A_1006 = tpu.memref_slice %arg2[%mul3A_22] : memref<1040xi32, #tpu.memory_space<hbm>> -> memref<16xi32, #tpu.memory_space<hbm>>
      tpu.enqueue_dma source(%dma_start3A_1006 : memref<16xi32, #tpu.memory_space<hbm>>) target(%arg5 : memref<16xi32, #tpu.memory_space<vmem>>) target_semaphore(%run_scoped3A : memref<!tpu.dma_semaphore, #tpu.memory_space<semaphore_mem>>)
      %dma_wait3A = tpu.memref_slice %arg2[%mul3A_22] : memref<1040xi32, #tpu.memory_space<hbm>> -> memref<16xi32, #tpu.memory_space<hbm>>
      %dma_wait3A_1007 = tpu.memref_slice %arg2[%mul3A_22] : memref<1040xi32, #tpu.memory_space<hbm>> -> memref<16xi32, #tpu.memory_space<hbm>>
      tpu.wait_dma2 semaphore(%run_scoped3A : memref<!tpu.dma_semaphore, #tpu.memory_space<semaphore_mem>>) src(%dma_wait3A_1007 : memref<16xi32, #tpu.memory_space<hbm>>) dst(%arg5 : memref<16xi32, #tpu.memory_space<vmem>>)
      tpu.yield
    }) : () -> ()
    %iota3A = tpu.iota {dimensions = array<i32: 0>} : vector<16xi32>
    %add3A_24 = arith.constant 0 : i32
    %add3A_25 = arith.addi %sub3A_23, %add3A_24 : i32
    %eq3A = arith.constant 0 : i32
    %eq3A_26 = arith.cmpi eq, %add3A_25, %eq3A : i32
    %get3A = arith.constant 0 : index
    %get3A_27 = tpu.vector_load %arg5[%get3A] {strides = array<i32>} : memref<16xi32, #tpu.memory_space<vmem>>, vector<16xi32>,
    %get3A_28 = vector.shape_cast %get3A_27 : vector<16xi32> to vector<16xi32>
    %slice3A = vector.extract_strided_slice %get3A_28 {offsets = [0], sizes = [1], strides = [1]} : vector<16xi32> to vector<1xi32>
    %squeeze3A = vector.extract %slice3A[0] : i32 from vector<1xi32>
    %jit3A_29 = arith.constant 0 : i32
    %select_n3A_30 = arith.select %eq3A_26, %squeeze3A, %jit3A_29 : i32
    %eq3A_31 = arith.constant 1 : i32
    %eq3A_32 = arith.cmpi eq, %add3A_25, %eq3A_31 : i32
    %get3A_33 = arith.constant 0 : index
    %get3A_34 = tpu.vector_load %arg5[%get3A_33] {strides = array<i32>} : memref<16xi32, #tpu.memory_space<vmem>>, vector<16xi32>,
    %get3A_35 = vector.shape_cast %get3A_34 : vector<16xi32> to vector<16xi32>
    %slice3A_36 = vector.extract_strided_slice %get3A_35 {offsets = [1], sizes = [1], strides = [1]} : vector<16xi32> to vector<1xi32>
    %squeeze3A_37 = vector.extract %slice3A_36[0] : i32 from vector<1xi32>
    %select_n3A_38 = arith.select %eq3A_32, %squeeze3A_37, %select_n3A_30 : i32
    %eq3A_39 = arith.constant 2 : i32
    %eq3A_40 = arith.cmpi eq, %add3A_25, %eq3A_39 : i32
    %get3A_41 = arith.constant 0 : index
    %get3A_42 = tpu.vector_load %arg5[%get3A_41] {strides = array<i32>} : memref<16xi32, #tpu.memory_space<vmem>>, vector<16xi32>,
    %get3A_43 = vector.shape_cast %get3A_42 : vector<16xi32> to vector<16xi32>
    %slice3A_44 = vector.extract_strided_slice %get3A_43 {offsets = [2], sizes = [1], strides = [1]} : vector<16xi32> to vector<1xi32>
    %squeeze3A_45 = vector.extract %slice3A_44[0] : i32 from vector<1xi32>
    %select_n3A_46 = arith.select %eq3A_40, %squeeze3A_45, %select_n3A_38 : i32
    %eq3A_47 = arith.constant 3 : i32
    %eq3A_48 = arith.cmpi eq, %add3A_25, %eq3A_47 : i32
    %get3A_49 = arith.constant 0 : index
    %get3A_50 = tpu.vector_load %arg5[%get3A_49] {strides = array<i32>} : memref<16xi32, #tpu.memory_space<vmem>>, vector<16xi32>,
    %get3A_51 = vector.shape_cast %get3A_50 : vector<16xi32> to vector<16xi32>
    %slice3A_52 = vector.extract_strided_slice %get3A_51 {offsets = [3], sizes = [1], strides = [1]} : vector<16xi32> to vector<1xi32>
    %squeeze3A_53 = vector.extract %slice3A_52[0] : i32 from vector<1xi32>
    %select_n3A_54 = arith.select %eq3A_48, %squeeze3A_53, %select_n3A_46 : i32
    %eq3A_55 = arith.constant 4 : i32
    %eq3A_56 = arith.cmpi eq, %add3A_25, %eq3A_55 : i32
    %get3A_57 = arith.constant 0 : index
    %get3A_58 = tpu.vector_load %arg5[%get3A_57] {strides = array<i32>} : memref<16xi32, #tpu.memory_space<vmem>>, vector<16xi32>,
    %get3A_59 = vector.shape_cast %get3A_58 : vector<16xi32> to vector<16xi32>
    %slice3A_60 = vector.extract_strided_slice %get3A_59 {offsets = [4], sizes = [1], strides = [1]} : vector<16xi32> to vector<1xi32>
    %squeeze3A_61 = vector.extract %slice3A_60[0] : i32 from vector<1xi32>
    %select_n3A_62 = arith.select %eq3A_56, %squeeze3A_61, %select_n3A_54 : i32
    %eq3A_63 = arith.constant 5 : i32
    %eq3A_64 = arith.cmpi eq, %add3A_25, %eq3A_63 : i32
    %get3A_65 = arith.constant 0 : index
    %get3A_66 = tpu.vector_load %arg5[%get3A_65] {strides = array<i32>} : memref<16xi32, #tpu.memory_space<vmem>>, vector<16xi32>,
    %get3A_67 = vector.shape_cast %get3A_66 : vector<16xi32> to vector<16xi32>
    %slice3A_68 = vector.extract_strided_slice %get3A_67 {offsets = [5], sizes = [1], strides = [1]} : vector<16xi32> to vector<1xi32>
    %squeeze3A_69 = vector.extract %slice3A_68[0] : i32 from vector<1xi32>
    %select_n3A_70 = arith.select %eq3A_64, %squeeze3A_69, %select_n3A_62 : i32
    %eq3A_71 = arith.constant 6 : i32
    %eq3A_72 = arith.cmpi eq, %add3A_25, %eq3A_71 : i32
    %get3A_73 = arith.constant 0 : index
    %get3A_74 = tpu.vector_load %arg5[%get3A_73] {strides = array<i32>} : memref<16xi32, #tpu.memory_space<vmem>>, vector<16xi32>,
    %get3A_75 = vector.shape_cast %get3A_74 : vector<16xi32> to vector<16xi32>
    %slice3A_76 = vector.extract_strided_slice %get3A_75 {offsets = [6], sizes = [1], strides = [1]} : vector<16xi32> to vector<1xi32>
    %squeeze3A_77 = vector.extract %slice3A_76[0] : i32 from vector<1xi32>
    %select_n3A_78 = arith.select %eq3A_72, %squeeze3A_77, %select_n3A_70 : i32
    %eq3A_79 = arith.constant 7 : i32
    %eq3A_80 = arith.cmpi eq, %add3A_25, %eq3A_79 : i32
    %get3A_81 = arith.constant 0 : index
    %get3A_82 = tpu.vector_load %arg5[%get3A_81] {strides = array<i32>} : memref<16xi32, #tpu.memory_space<vmem>>, vector<16xi32>,
    %get3A_83 = vector.shape_cast %get3A_82 : vector<16xi32> to vector<16xi32>
    %slice3A_84 = vector.extract_strided_slice %get3A_83 {offsets = [7], sizes = [1], strides = [1]} : vector<16xi32> to vector<1xi32>
    %squeeze3A_85 = vector.extract %slice3A_84[0] : i32 from vector<1xi32>
    %select_n3A_86 = arith.select %eq3A_80, %squeeze3A_85, %select_n3A_78 : i32
    %eq3A_87 = arith.constant 8 : i32
    %eq3A_88 = arith.cmpi eq, %add3A_25, %eq3A_87 : i32
    %get3A_89 = arith.constant 0 : index
    %get3A_90 = tpu.vector_load %arg5[%get3A_89] {strides = array<i32>} : memref<16xi32, #tpu.memory_space<vmem>>, vector<16xi32>,
    %get3A_91 = vector.shape_cast %get3A_90 : vector<16xi32> to vector<16xi32>
    %slice3A_92 = vector.extract_strided_slice %get3A_91 {offsets = [8], sizes = [1], strides = [1]} : vector<16xi32> to vector<1xi32>
    %squeeze3A_93 = vector.extract %slice3A_92[0] : i32 from vector<1xi32>
    %select_n3A_94 = arith.select %eq3A_88, %squeeze3A_93, %select_n3A_86 : i32
    %eq3A_95 = arith.constant 9 : i32
    %eq3A_96 = arith.cmpi eq, %add3A_25, %eq3A_95 : i32
    %get3A_97 = arith.constant 0 : index
    %get3A_98 = tpu.vector_load %arg5[%get3A_97] {strides = array<i32>} : memref<16xi32, #tpu.memory_space<vmem>>, vector<16xi32>,
    %get3A_99 = vector.shape_cast %get3A_98 : vector<16xi32> to vector<16xi32>
    %slice3A_100 = vector.extract_strided_slice %get3A_99 {offsets = [9], sizes = [1], strides = [1]} : vector<16xi32> to vector<1xi32>
    %squeeze3A_101 = vector.extract %slice3A_100[0] : i32 from vector<1xi32>
    %select_n3A_102 = arith.select %eq3A_96, %squeeze3A_101, %select_n3A_94 : i32
    %eq3A_103 = arith.constant 10 : i32
    %eq3A_104 = arith.cmpi eq, %add3A_25, %eq3A_103 : i32
    %get3A_105 = arith.constant 0 : index
    %get3A_106 = tpu.vector_load %arg5[%get3A_105] {strides = array<i32>} : memref<16xi32, #tpu.memory_space<vmem>>, vector<16xi32>,
    %get3A_107 = vector.shape_cast %get3A_106 : vector<16xi32> to vector<16xi32>
    %slice3A_108 = vector.extract_strided_slice %get3A_107 {offsets = [10], sizes = [1], strides = [1]} : vector<16xi32> to vector<1xi32>
    %squeeze3A_109 = vector.extract %slice3A_108[0] : i32 from vector<1xi32>
    %select_n3A_110 = arith.select %eq3A_104, %squeeze3A_109, %select_n3A_102 : i32
    %eq3A_111 = arith.constant 11 : i32
    %eq3A_112 = arith.cmpi eq, %add3A_25, %eq3A_111 : i32
    %get3A_113 = arith.constant 0 : index
    %get3A_114 = tpu.vector_load %arg5[%get3A_113] {strides = array<i32>} : memref<16xi32, #tpu.memory_space<vmem>>, vector<16xi32>,
    %get3A_115 = vector.shape_cast %get3A_114 : vector<16xi32> to vector<16xi32>
    %slice3A_116 = vector.extract_strided_slice %get3A_115 {offsets = [11], sizes = [1], strides = [1]} : vector<16xi32> to vector<1xi32>
    %squeeze3A_117 = vector.extract %slice3A_116[0] : i32 from vector<1xi32>
    %select_n3A_118 = arith.select %eq3A_112, %squeeze3A_117, %select_n3A_110 : i32
    %eq3A_119 = arith.constant 12 : i32
    %eq3A_120 = arith.cmpi eq, %add3A_25, %eq3A_119 : i32
    %get3A_121 = arith.constant 0 : index
    %get3A_122 = tpu.vector_load %arg5[%get3A_121] {strides = array<i32>} : memref<16xi32, #tpu.memory_space<vmem>>, vector<16xi32>,
    %get3A_123 = vector.shape_cast %get3A_122 : vector<16xi32> to vector<16xi32>
    %slice3A_124 = vector.extract_strided_slice %get3A_123 {offsets = [12], sizes = [1], strides = [1]} : vector<16xi32> to vector<1xi32>
    %squeeze3A_125 = vector.extract %slice3A_124[0] : i32 from vector<1xi32>
    %select_n3A_126 = arith.select %eq3A_120, %squeeze3A_125, %select_n3A_118 : i32
    %eq3A_127 = arith.constant 13 : i32
    %eq3A_128 = arith.cmpi eq, %add3A_25, %eq3A_127 : i32
    %get3A_129 = arith.constant 0 : index
    %get3A_130 = tpu.vector_load %arg5[%get3A_129] {strides = array<i32>} : memref<16xi32, #tpu.memory_space<vmem>>, vector<16xi32>,
    %get3A_131 = vector.shape_cast %get3A_130 : vector<16xi32> to vector<16xi32>
    %slice3A_132 = vector.extract_strided_slice %get3A_131 {offsets = [13], sizes = [1], strides = [1]} : vector<16xi32> to vector<1xi32>
    %squeeze3A_133 = vector.extract %slice3A_132[0] : i32 from vector<1xi32>
    %select_n3A_134 = arith.select %eq3A_128, %squeeze3A_133, %select_n3A_126 : i32
    %eq3A_135 = arith.constant 14 : i32
    %eq3A_136 = arith.cmpi eq, %add3A_25, %eq3A_135 : i32
    %get3A_137 = arith.constant 0 : index
    %get3A_138 = tpu.vector_load %arg5[%get3A_137] {strides = array<i32>} : memref<16xi32, #tpu.memory_space<vmem>>, vector<16xi32>,
    %get3A_139 = vector.shape_cast %get3A_138 : vector<16xi32> to vector<16xi32>
    %slice3A_140 = vector.extract_strided_slice %get3A_139 {offsets = [14], sizes = [1], strides = [1]} : vector<16xi32> to vector<1xi32>
    %squeeze3A_141 = vector.extract %slice3A_140[0] : i32 from vector<1xi32>
    %select_n3A_142 = arith.select %eq3A_136, %squeeze3A_141, %select_n3A_134 : i32
    %eq3A_143 = arith.constant 15 : i32
    %eq3A_144 = arith.cmpi eq, %add3A_25, %eq3A_143 : i32
    %get3A_145 = arith.constant 0 : index
    %get3A_146 = tpu.vector_load %arg5[%get3A_145] {strides = array<i32>} : memref<16xi32, #tpu.memory_space<vmem>>, vector<16xi32>,
    %get3A_147 = vector.shape_cast %get3A_146 : vector<16xi32> to vector<16xi32>
    %slice3A_148 = vector.extract_strided_slice %get3A_147 {offsets = [15], sizes = [1], strides = [1]} : vector<16xi32> to vector<1xi32>
    %squeeze3A_149 = vector.extract %slice3A_148[0] : i32 from vector<1xi32>
    %select_n3A_150 = arith.select %eq3A_144, %squeeze3A_149, %select_n3A_142 : i32
    %jit3A_151 = arith.constant 0 : i32
    %jit3A_152 = arith.constant 99999 : i32
    %max3A = arith.maxsi %jit3A_151, %select_n3A_150 : i32
    %min3A = arith.minsi %jit3A_152, %max3A : i32
    %add3A_153 = arith.constant 0 : i32
    %add3A_154 = arith.addi %add3A_4, %add3A_153 : i32
    "tpu.region"() ({
      %run_scoped3A = tpu.sem_alloc : memref<!tpu.dma_semaphore, #tpu.memory_space<semaphore_mem>>
      %dma_start3A = arith.constant 0 : i32
      %dma_start3A_1006 = tpu.memref_slice %arg3[%add3A_154, %dma_start3A] : memref<1024x100000xf32, #tpu.memory_space<hbm>> -> memref<1x100000xf32, #tpu.memory_space<hbm>>
      %dma_start3A_1007 = tpu.memref_squeeze %dma_start3A_1006 : memref<1x100000xf32, #tpu.memory_space<hbm>> -> memref<100000xf32, #tpu.memory_space<hbm>>
      %dma_start3A_1008 = arith.constant 0 : i32
      %dma_start3A_1009 = tpu.memref_slice %arg3[%add3A_154, %dma_start3A_1008] : memref<1024x100000xf32, #tpu.memory_space<hbm>> -> memref<1x100000xf32, #tpu.memory_space<hbm>>
      %dma_start3A_1010 = tpu.memref_squeeze %dma_start3A_1009 : memref<1x100000xf32, #tpu.memory_space<hbm>> -> memref<100000xf32, #tpu.memory_space<hbm>>
      tpu.enqueue_dma source(%dma_start3A_1010 : memref<100000xf32, #tpu.memory_space<hbm>>) target(%arg6 : memref<100000xf32, #tpu.memory_space<vmem>>) target_semaphore(%run_scoped3A : memref<!tpu.dma_semaphore, #tpu.memory_space<semaphore_mem>>)
      %dma_wait3A = arith.constant 0 : i32
      %dma_wait3A_1011 = tpu.memref_slice %arg3[%add3A_154, %dma_wait3A] : memref<1024x100000xf32, #tpu.memory_space<hbm>> -> memref<1x100000xf32, #tpu.memory_space<hbm>>
      %dma_wait3A_1012 = tpu.memref_squeeze %dma_wait3A_1011 : memref<1x100000xf32, #tpu.memory_space<hbm>> -> memref<100000xf32, #tpu.memory_space<hbm>>
      %dma_wait3A_1013 = arith.constant 0 : i32
      %dma_wait3A_1014 = tpu.memref_slice %arg3[%add3A_154, %dma_wait3A_1013] : memref<1024x100000xf32, #tpu.memory_space<hbm>> -> memref<1x100000xf32, #tpu.memory_space<hbm>>
      %dma_wait3A_1015 = tpu.memref_squeeze %dma_wait3A_1014 : memref<1x100000xf32, #tpu.memory_space<hbm>> -> memref<100000xf32, #tpu.memory_space<hbm>>
      tpu.wait_dma2 semaphore(%run_scoped3A : memref<!tpu.dma_semaphore, #tpu.memory_space<semaphore_mem>>) src(%dma_wait3A_1015 : memref<100000xf32, #tpu.memory_space<hbm>>) dst(%arg6 : memref<100000xf32, #tpu.memory_space<vmem>>)
      tpu.yield
    }) : () -> ()
    %jit3A_155 = arith.constant 16 : i32
    %div3A_156 = arith.divsi %min3A, %jit3A_155 : i32
    %sign3A_157 = arith.constant 0 : i32
    %sign3A_158 = arith.cmpi sgt, %min3A, %sign3A_157 : i32
    %sign3A_159 = arith.extui %sign3A_158 : i1 to i32
    %sign3A_160 = arith.constant 0 : i32
    %sign3A_161 = arith.cmpi slt, %min3A, %sign3A_160 : i32
    %sign3A_162 = arith.extui %sign3A_161 : i1 to i32
    %sign3A_163 = arith.subi %sign3A_159, %sign3A_162 : i32
    %sign3A_164 = arith.constant 0 : i32
    %sign3A_165 = arith.cmpi sgt, %jit3A_155, %sign3A_164 : i32
    %sign3A_166 = arith.extui %sign3A_165 : i1 to i32
    %sign3A_167 = arith.constant 0 : i32
    %sign3A_168 = arith.cmpi slt, %jit3A_155, %sign3A_167 : i32
    %sign3A_169 = arith.extui %sign3A_168 : i1 to i32
    %sign3A_170 = arith.subi %sign3A_166, %sign3A_169 : i32
    %ne3A_171 = arith.cmpi ne, %sign3A_163, %sign3A_170 : i32
    %rem3A_172 = arith.remsi %min3A, %jit3A_155 : i32
    %ne3A_173 = arith.constant 0 : i32
    %ne3A_174 = arith.cmpi ne, %rem3A_172, %ne3A_173 : i32
    %and3A_175 = arith.andi %ne3A_171, %ne3A_174 : i1
    %sub3A_176 = arith.constant 1 : i32
    %sub3A_177 = arith.subi %div3A_156, %sub3A_176 : i32
    %select_n3A_178 = arith.select %and3A_175, %sub3A_177, %div3A_156 : i32
    %mul3A_179 = arith.constant 16 : i32
    %mul3A_180 = arith.muli %select_n3A_178, %mul3A_179 : i32
    %sub3A_181 = arith.subi %min3A, %mul3A_180 : i32
    %mul3A_182 = arith.constant 16 : i32
    %mul3A_183 = arith.muli %select_n3A_178, %mul3A_182 : i32
    %get3A_184 = arith.index_cast %mul3A_183 : i32 to index
    %get3A_185 = tpu.vector_load %arg6[%get3A_184] {strides = array<i32>} : memref<100000xf32, #tpu.memory_space<vmem>>, vector<16xf32>,
    %get3A_186 = vector.shape_cast %get3A_185 : vector<16xf32> to vector<16xf32>
    %eq3A_187 = arith.constant 0 : i32
    %eq3A_188 = arith.cmpi eq, %sub3A_181, %eq3A_187 : i32
    %slice3A_189 = vector.extract_strided_slice %get3A_186 {offsets = [0], sizes = [1], strides = [1]} : vector<16xf32> to vector<1xf32>
    %squeeze3A_190 = vector.extract %slice3A_189[0] : f32 from vector<1xf32>
    %jit3A_191 = arith.constant 0.000000e+00 : f32
    %select_n3A_192 = arith.select %eq3A_188, %squeeze3A_190, %jit3A_191 : f32
    %eq3A_193 = arith.constant 1 : i32
    %eq3A_194 = arith.cmpi eq, %sub3A_181, %eq3A_193 : i32
    %slice3A_195 = vector.extract_strided_slice %get3A_186 {offsets = [1], sizes = [1], strides = [1]} : vector<16xf32> to vector<1xf32>
    %squeeze3A_196 = vector.extract %slice3A_195[0] : f32 from vector<1xf32>
    %select_n3A_197 = arith.select %eq3A_194, %squeeze3A_196, %select_n3A_192 : f32
    %eq3A_198 = arith.constant 2 : i32
    %eq3A_199 = arith.cmpi eq, %sub3A_181, %eq3A_198 : i32
    %slice3A_200 = vector.extract_strided_slice %get3A_186 {offsets = [2], sizes = [1], strides = [1]} : vector<16xf32> to vector<1xf32>
    %squeeze3A_201 = vector.extract %slice3A_200[0] : f32 from vector<1xf32>
    %select_n3A_202 = arith.select %eq3A_199, %squeeze3A_201, %select_n3A_197 : f32
    %eq3A_203 = arith.constant 3 : i32
    %eq3A_204 = arith.cmpi eq, %sub3A_181, %eq3A_203 : i32
    %slice3A_205 = vector.extract_strided_slice %get3A_186 {offsets = [3], sizes = [1], strides = [1]} : vector<16xf32> to vector<1xf32>
    %squeeze3A_206 = vector.extract %slice3A_205[0] : f32 from vector<1xf32>
    %select_n3A_207 = arith.select %eq3A_204, %squeeze3A_206, %select_n3A_202 : f32
    %eq3A_208 = arith.constant 4 : i32
    %eq3A_209 = arith.cmpi eq, %sub3A_181, %eq3A_208 : i32
    %slice3A_210 = vector.extract_strided_slice %get3A_186 {offsets = [4], sizes = [1], strides = [1]} : vector<16xf32> to vector<1xf32>
    %squeeze3A_211 = vector.extract %slice3A_210[0] : f32 from vector<1xf32>
    %select_n3A_212 = arith.select %eq3A_209, %squeeze3A_211, %select_n3A_207 : f32
    %eq3A_213 = arith.constant 5 : i32
    %eq3A_214 = arith.cmpi eq, %sub3A_181, %eq3A_213 : i32
    %slice3A_215 = vector.extract_strided_slice %get3A_186 {offsets = [5], sizes = [1], strides = [1]} : vector<16xf32> to vector<1xf32>
    %squeeze3A_216 = vector.extract %slice3A_215[0] : f32 from vector<1xf32>
    %select_n3A_217 = arith.select %eq3A_214, %squeeze3A_216, %select_n3A_212 : f32
    %eq3A_218 = arith.constant 6 : i32
    %eq3A_219 = arith.cmpi eq, %sub3A_181, %eq3A_218 : i32
    %slice3A_220 = vector.extract_strided_slice %get3A_186 {offsets = [6], sizes = [1], strides = [1]} : vector<16xf32> to vector<1xf32>
    %squeeze3A_221 = vector.extract %slice3A_220[0] : f32 from vector<1xf32>
    %select_n3A_222 = arith.select %eq3A_219, %squeeze3A_221, %select_n3A_217 : f32
    %eq3A_223 = arith.constant 7 : i32
    %eq3A_224 = arith.cmpi eq, %sub3A_181, %eq3A_223 : i32
    %slice3A_225 = vector.extract_strided_slice %get3A_186 {offsets = [7], sizes = [1], strides = [1]} : vector<16xf32> to vector<1xf32>
    %squeeze3A_226 = vector.extract %slice3A_225[0] : f32 from vector<1xf32>
    %select_n3A_227 = arith.select %eq3A_224, %squeeze3A_226, %select_n3A_222 : f32
    %eq3A_228 = arith.constant 8 : i32
    %eq3A_229 = arith.cmpi eq, %sub3A_181, %eq3A_228 : i32
    %slice3A_230 = vector.extract_strided_slice %get3A_186 {offsets = [8], sizes = [1], strides = [1]} : vector<16xf32> to vector<1xf32>
    %squeeze3A_231 = vector.extract %slice3A_230[0] : f32 from vector<1xf32>
    %select_n3A_232 = arith.select %eq3A_229, %squeeze3A_231, %select_n3A_227 : f32
    %eq3A_233 = arith.constant 9 : i32
    %eq3A_234 = arith.cmpi eq, %sub3A_181, %eq3A_233 : i32
    %slice3A_235 = vector.extract_strided_slice %get3A_186 {offsets = [9], sizes = [1], strides = [1]} : vector<16xf32> to vector<1xf32>
    %squeeze3A_236 = vector.extract %slice3A_235[0] : f32 from vector<1xf32>
    %select_n3A_237 = arith.select %eq3A_234, %squeeze3A_236, %select_n3A_232 : f32
    %eq3A_238 = arith.constant 10 : i32
    %eq3A_239 = arith.cmpi eq, %sub3A_181, %eq3A_238 : i32
    %slice3A_240 = vector.extract_strided_slice %get3A_186 {offsets = [10], sizes = [1], strides = [1]} : vector<16xf32> to vector<1xf32>
    %squeeze3A_241 = vector.extract %slice3A_240[0] : f32 from vector<1xf32>
    %select_n3A_242 = arith.select %eq3A_239, %squeeze3A_241, %select_n3A_237 : f32
    %eq3A_243 = arith.constant 11 : i32
    %eq3A_244 = arith.cmpi eq, %sub3A_181, %eq3A_243 : i32
    %slice3A_245 = vector.extract_strided_slice %get3A_186 {offsets = [11], sizes = [1], strides = [1]} : vector<16xf32> to vector<1xf32>
    %squeeze3A_246 = vector.extract %slice3A_245[0] : f32 from vector<1xf32>
    %select_n3A_247 = arith.select %eq3A_244, %squeeze3A_246, %select_n3A_242 : f32
    %eq3A_248 = arith.constant 12 : i32
    %eq3A_249 = arith.cmpi eq, %sub3A_181, %eq3A_248 : i32
    %slice3A_250 = vector.extract_strided_slice %get3A_186 {offsets = [12], sizes = [1], strides = [1]} : vector<16xf32> to vector<1xf32>
    %squeeze3A_251 = vector.extract %slice3A_250[0] : f32 from vector<1xf32>
    %select_n3A_252 = arith.select %eq3A_249, %squeeze3A_251, %select_n3A_247 : f32
    %eq3A_253 = arith.constant 13 : i32
    %eq3A_254 = arith.cmpi eq, %sub3A_181, %eq3A_253 : i32
    %slice3A_255 = vector.extract_strided_slice %get3A_186 {offsets = [13], sizes = [1], strides = [1]} : vector<16xf32> to vector<1xf32>
    %squeeze3A_256 = vector.extract %slice3A_255[0] : f32 from vector<1xf32>
    %select_n3A_257 = arith.select %eq3A_254, %squeeze3A_256, %select_n3A_252 : f32
    %eq3A_258 = arith.constant 14 : i32
    %eq3A_259 = arith.cmpi eq, %sub3A_181, %eq3A_258 : i32
    %slice3A_260 = vector.extract_strided_slice %get3A_186 {offsets = [14], sizes = [1], strides = [1]} : vector<16xf32> to vector<1xf32>
    %squeeze3A_261 = vector.extract %slice3A_260[0] : f32 from vector<1xf32>
    %select_n3A_262 = arith.select %eq3A_259, %squeeze3A_261, %select_n3A_257 : f32
    %eq3A_263 = arith.constant 15 : i32
    %eq3A_264 = arith.cmpi eq, %sub3A_181, %eq3A_263 : i32
    %slice3A_265 = vector.extract_strided_slice %get3A_186 {offsets = [15], sizes = [1], strides = [1]} : vector<16xf32> to vector<1xf32>
    %squeeze3A_266 = vector.extract %slice3A_265[0] : f32 from vector<1xf32>
    %select_n3A_267 = arith.select %eq3A_264, %squeeze3A_266, %select_n3A_262 : f32
    %broadcast_in_dim3A = vector.broadcast %select_n3A_267 : f32 to vector<16xf32>
    %mul3A_268 = arith.constant 16 : i32
    %mul3A_269 = arith.muli %select_n3A_178, %mul3A_268 : i32
    %add3A_270 = vector.broadcast %mul3A_269 : i32 to vector<16xi32>
    %add3A_271 = arith.addi %add3A_270, %iota3A : vector<16xi32>
    %eq3A_272 = arith.cmpf oeq, %get3A_186, %broadcast_in_dim3A : vector<16xf32>
    %jit3A_273 = arith.constant 1.000000e+00 : f32
    %jit3A_274 = arith.constant 0.000000e+00 : f32
    %broadcast_in_dim3A_275 = vector.broadcast %jit3A_273 : f32 to vector<16xf32>
    %broadcast_in_dim3A_276 = vector.broadcast %jit3A_274 : f32 to vector<16xf32>
    %select_n3A_277 = arith.select %eq3A_272, %broadcast_in_dim3A_275, %broadcast_in_dim3A_276 : vector<16xi1>, vector<16xf32>
    %lt3A = vector.broadcast %min3A : i32 to vector<16xi32>
    %lt3A_278 = arith.cmpi slt, %add3A_271, %lt3A : vector<16xi32>
    %jit3A_279 = arith.constant 1.000000e+00 : f32
    %jit3A_280 = arith.constant 0.000000e+00 : f32
    %broadcast_in_dim3A_281 = vector.broadcast %jit3A_279 : f32 to vector<16xf32>
    %broadcast_in_dim3A_282 = vector.broadcast %jit3A_280 : f32 to vector<16xf32>
    %select_n3A_283 = arith.select %lt3A_278, %broadcast_in_dim3A_281, %broadcast_in_dim3A_282 : vector<16xi1>, vector<16xf32>
    %mul3A_284 = arith.mulf %select_n3A_277, %select_n3A_283 : vector<16xf32>
    %scan3A = arith.constant 0 : i32
    %scan3A_285 = arith.constant 6248 : i32
    %scan3A_286 = arith.addi %scan3A, %scan3A_285 : i32
    %scan3A_287 = arith.constant 8 : i32
    %scan3A_288 = scf.for %scan3A_1006 = %scan3A to %scan3A_286 step %scan3A_287 iter_args(%scan3A_1007 = %mul3A_284) -> (vector<16xf32>)  : i32 {
      %mul3A_1008 = arith.constant 16 : i32
      %mul3A_1009 = arith.muli %scan3A_1006, %mul3A_1008 : i32
      %get3A_1010 = arith.index_cast %mul3A_1009 : i32 to index
      %get3A_1011 = tpu.vector_load %arg6[%get3A_1010] {strides = array<i32>} : memref<100000xf32, #tpu.memory_space<vmem>>, vector<16xf32>,
      %get3A_1012 = vector.shape_cast %get3A_1011 : vector<16xf32> to vector<16xf32>
      %lt3A_1013 = arith.cmpi slt, %scan3A_1006, %select_n3A_178 : i32
      %jit3A_1014 = arith.constant 1.000000e+00 : f32
      %jit3A_1015 = arith.constant 0.000000e+00 : f32
      %select_n3A_1016 = arith.select %lt3A_1013, %jit3A_1014, %jit3A_1015 : f32
      %gt3A_1017 = arith.cmpf ogt, %get3A_1012, %broadcast_in_dim3A : vector<16xf32>
      %jit3A_1018 = arith.constant 1.000000e+00 : f32
      %jit3A_1019 = arith.constant 0.000000e+00 : f32
      %broadcast_in_dim3A_1020 = vector.broadcast %jit3A_1018 : f32 to vector<16xf32>
      %broadcast_in_dim3A_1021 = vector.broadcast %jit3A_1019 : f32 to vector<16xf32>
      %select_n3A_1022 = arith.select %gt3A_1017, %broadcast_in_dim3A_1020, %broadcast_in_dim3A_1021 : vector<16xi1>, vector<16xf32>
      %add3A_1023 = arith.addf %scan3A_1007, %select_n3A_1022 : vector<16xf32>
      %eq3A_1024 = arith.cmpf oeq, %get3A_1012, %broadcast_in_dim3A : vector<16xf32>
      %jit3A_1025 = arith.constant 0.000000e+00 : f32
      %broadcast_in_dim3A_1026 = vector.broadcast %select_n3A_1016 : f32 to vector<16xf32>
      %broadcast_in_dim3A_1027 = vector.broadcast %jit3A_1025 : f32 to vector<16xf32>
      %select_n3A_1028 = arith.select %eq3A_1024, %broadcast_in_dim3A_1026, %broadcast_in_dim3A_1027 : vector<16xi1>, vector<16xf32>
      %add3A_1029 = arith.addf %add3A_1023, %select_n3A_1028 : vector<16xf32>
      %scan3A_1030 = arith.constant 1 : i32
      %scan3A_1031 = arith.addi %scan3A_1006, %scan3A_1030 : i32
      %mul3A_1032 = arith.constant 16 : i32
      %mul3A_1033 = arith.muli %scan3A_1031, %mul3A_1032 : i32
      %get3A_1034 = arith.index_cast %mul3A_1033 : i32 to index
      %get3A_1035 = tpu.vector_load %arg6[%get3A_1034] {strides = array<i32>} : memref<100000xf32, #tpu.memory_space<vmem>>, vector<16xf32>,
      %get3A_1036 = vector.shape_cast %get3A_1035 : vector<16xf32> to vector<16xf32>
      %lt3A_1037 = arith.cmpi slt, %scan3A_1031, %select_n3A_178 : i32
      %jit3A_1038 = arith.constant 1.000000e+00 : f32
      %jit3A_1039 = arith.constant 0.000000e+00 : f32
      %select_n3A_1040 = arith.select %lt3A_1037, %jit3A_1038, %jit3A_1039 : f32
      %gt3A_1041 = arith.cmpf ogt, %get3A_1036, %broadcast_in_dim3A : vector<16xf32>
      %jit3A_1042 = arith.constant 1.000000e+00 : f32
      %jit3A_1043 = arith.constant 0.000000e+00 : f32
      %broadcast_in_dim3A_1044 = vector.broadcast %jit3A_1042 : f32 to vector<16xf32>
      %broadcast_in_dim3A_1045 = vector.broadcast %jit3A_1043 : f32 to vector<16xf32>
      %select_n3A_1046 = arith.select %gt3A_1041, %broadcast_in_dim3A_1044, %broadcast_in_dim3A_1045 : vector<16xi1>, vector<16xf32>
      %add3A_1047 = arith.addf %add3A_1029, %select_n3A_1046 : vector<16xf32>
      %eq3A_1048 = arith.cmpf oeq, %get3A_1036, %broadcast_in_dim3A : vector<16xf32>
      %jit3A_1049 = arith.constant 0.000000e+00 : f32
      %broadcast_in_dim3A_1050 = vector.broadcast %select_n3A_1040 : f32 to vector<16xf32>
      %broadcast_in_dim3A_1051 = vector.broadcast %jit3A_1049 : f32 to vector<16xf32>
      %select_n3A_1052 = arith.select %eq3A_1048, %broadcast_in_dim3A_1050, %broadcast_in_dim3A_1051 : vector<16xi1>, vector<16xf32>
      %add3A_1053 = arith.addf %add3A_1047, %select_n3A_1052 : vector<16xf32>
      %scan3A_1054 = arith.constant 2 : i32
      %scan3A_1055 = arith.addi %scan3A_1006, %scan3A_1054 : i32
      %mul3A_1056 = arith.constant 16 : i32
      %mul3A_1057 = arith.muli %scan3A_1055, %mul3A_1056 : i32
      %get3A_1058 = arith.index_cast %mul3A_1057 : i32 to index
      %get3A_1059 = tpu.vector_load %arg6[%get3A_1058] {strides = array<i32>} : memref<100000xf32, #tpu.memory_space<vmem>>, vector<16xf32>,
      %get3A_1060 = vector.shape_cast %get3A_1059 : vector<16xf32> to vector<16xf32>
      %lt3A_1061 = arith.cmpi slt, %scan3A_1055, %select_n3A_178 : i32
      %jit3A_1062 = arith.constant 1.000000e+00 : f32
      %jit3A_1063 = arith.constant 0.000000e+00 : f32
      %select_n3A_1064 = arith.select %lt3A_1061, %jit3A_1062, %jit3A_1063 : f32
      %gt3A_1065 = arith.cmpf ogt, %get3A_1060, %broadcast_in_dim3A : vector<16xf32>
      %jit3A_1066 = arith.constant 1.000000e+00 : f32
      %jit3A_1067 = arith.constant 0.000000e+00 : f32
      %broadcast_in_dim3A_1068 = vector.broadcast %jit3A_1066 : f32 to vector<16xf32>
      %broadcast_in_dim3A_1069 = vector.broadcast %jit3A_1067 : f32 to vector<16xf32>
      %select_n3A_1070 = arith.select %gt3A_1065, %broadcast_in_dim3A_1068, %broadcast_in_dim3A_1069 : vector<16xi1>, vector<16xf32>
      %add3A_1071 = arith.addf %add3A_1053, %select_n3A_1070 : vector<16xf32>
      %eq3A_1072 = arith.cmpf oeq, %get3A_1060, %broadcast_in_dim3A : vector<16xf32>
      %jit3A_1073 = arith.constant 0.000000e+00 : f32
      %broadcast_in_dim3A_1074 = vector.broadcast %select_n3A_1064 : f32 to vector<16xf32>
      %broadcast_in_dim3A_1075 = vector.broadcast %jit3A_1073 : f32 to vector<16xf32>
      %select_n3A_1076 = arith.select %eq3A_1072, %broadcast_in_dim3A_1074, %broadcast_in_dim3A_1075 : vector<16xi1>, vector<16xf32>
      %add3A_1077 = arith.addf %add3A_1071, %select_n3A_1076 : vector<16xf32>
      %scan3A_1078 = arith.constant 3 : i32
      %scan3A_1079 = arith.addi %scan3A_1006, %scan3A_1078 : i32
      %mul3A_1080 = arith.constant 16 : i32
      %mul3A_1081 = arith.muli %scan3A_1079, %mul3A_1080 : i32
      %get3A_1082 = arith.index_cast %mul3A_1081 : i32 to index
      %get3A_1083 = tpu.vector_load %arg6[%get3A_1082] {strides = array<i32>} : memref<100000xf32, #tpu.memory_space<vmem>>, vector<16xf32>,
      %get3A_1084 = vector.shape_cast %get3A_1083 : vector<16xf32> to vector<16xf32>
      %lt3A_1085 = arith.cmpi slt, %scan3A_1079, %select_n3A_178 : i32
      %jit3A_1086 = arith.constant 1.000000e+00 : f32
      %jit3A_1087 = arith.constant 0.000000e+00 : f32
      %select_n3A_1088 = arith.select %lt3A_1085, %jit3A_1086, %jit3A_1087 : f32
      %gt3A_1089 = arith.cmpf ogt, %get3A_1084, %broadcast_in_dim3A : vector<16xf32>
      %jit3A_1090 = arith.constant 1.000000e+00 : f32
      %jit3A_1091 = arith.constant 0.000000e+00 : f32
      %broadcast_in_dim3A_1092 = vector.broadcast %jit3A_1090 : f32 to vector<16xf32>
      %broadcast_in_dim3A_1093 = vector.broadcast %jit3A_1091 : f32 to vector<16xf32>
      %select_n3A_1094 = arith.select %gt3A_1089, %broadcast_in_dim3A_1092, %broadcast_in_dim3A_1093 : vector<16xi1>, vector<16xf32>
      %add3A_1095 = arith.addf %add3A_1077, %select_n3A_1094 : vector<16xf32>
      %eq3A_1096 = arith.cmpf oeq, %get3A_1084, %broadcast_in_dim3A : vector<16xf32>
      %jit3A_1097 = arith.constant 0.000000e+00 : f32
      %broadcast_in_dim3A_1098 = vector.broadcast %select_n3A_1088 : f32 to vector<16xf32>
      %broadcast_in_dim3A_1099 = vector.broadcast %jit3A_1097 : f32 to vector<16xf32>
      %select_n3A_1100 = arith.select %eq3A_1096, %broadcast_in_dim3A_1098, %broadcast_in_dim3A_1099 : vector<16xi1>, vector<16xf32>
      %add3A_1101 = arith.addf %add3A_1095, %select_n3A_1100 : vector<16xf32>
      %scan3A_1102 = arith.constant 4 : i32
      %scan3A_1103 = arith.addi %scan3A_1006, %scan3A_1102 : i32
      %mul3A_1104 = arith.constant 16 : i32
      %mul3A_1105 = arith.muli %scan3A_1103, %mul3A_1104 : i32
      %get3A_1106 = arith.index_cast %mul3A_1105 : i32 to index
      %get3A_1107 = tpu.vector_load %arg6[%get3A_1106] {strides = array<i32>} : memref<100000xf32, #tpu.memory_space<vmem>>, vector<16xf32>,
      %get3A_1108 = vector.shape_cast %get3A_1107 : vector<16xf32> to vector<16xf32>
      %lt3A_1109 = arith.cmpi slt, %scan3A_1103, %select_n3A_178 : i32
      %jit3A_1110 = arith.constant 1.000000e+00 : f32
      %jit3A_1111 = arith.constant 0.000000e+00 : f32
      %select_n3A_1112 = arith.select %lt3A_1109, %jit3A_1110, %jit3A_1111 : f32
      %gt3A_1113 = arith.cmpf ogt, %get3A_1108, %broadcast_in_dim3A : vector<16xf32>
      %jit3A_1114 = arith.constant 1.000000e+00 : f32
      %jit3A_1115 = arith.constant 0.000000e+00 : f32
      %broadcast_in_dim3A_1116 = vector.broadcast %jit3A_1114 : f32 to vector<16xf32>
      %broadcast_in_dim3A_1117 = vector.broadcast %jit3A_1115 : f32 to vector<16xf32>
      %select_n3A_1118 = arith.select %gt3A_1113, %broadcast_in_dim3A_1116, %broadcast_in_dim3A_1117 : vector<16xi1>, vector<16xf32>
      %add3A_1119 = arith.addf %add3A_1101, %select_n3A_1118 : vector<16xf32>
      %eq3A_1120 = arith.cmpf oeq, %get3A_1108, %broadcast_in_dim3A : vector<16xf32>
      %jit3A_1121 = arith.constant 0.000000e+00 : f32
      %broadcast_in_dim3A_1122 = vector.broadcast %select_n3A_1112 : f32 to vector<16xf32>
      %broadcast_in_dim3A_1123 = vector.broadcast %jit3A_1121 : f32 to vector<16xf32>
      %select_n3A_1124 = arith.select %eq3A_1120, %broadcast_in_dim3A_1122, %broadcast_in_dim3A_1123 : vector<16xi1>, vector<16xf32>
      %add3A_1125 = arith.addf %add3A_1119, %select_n3A_1124 : vector<16xf32>
      %scan3A_1126 = arith.constant 5 : i32
      %scan3A_1127 = arith.addi %scan3A_1006, %scan3A_1126 : i32
      %mul3A_1128 = arith.constant 16 : i32
      %mul3A_1129 = arith.muli %scan3A_1127, %mul3A_1128 : i32
      %get3A_1130 = arith.index_cast %mul3A_1129 : i32 to index
      %get3A_1131 = tpu.vector_load %arg6[%get3A_1130] {strides = array<i32>} : memref<100000xf32, #tpu.memory_space<vmem>>, vector<16xf32>,
      %get3A_1132 = vector.shape_cast %get3A_1131 : vector<16xf32> to vector<16xf32>
      %lt3A_1133 = arith.cmpi slt, %scan3A_1127, %select_n3A_178 : i32
      %jit3A_1134 = arith.constant 1.000000e+00 : f32
      %jit3A_1135 = arith.constant 0.000000e+00 : f32
      %select_n3A_1136 = arith.select %lt3A_1133, %jit3A_1134, %jit3A_1135 : f32
      %gt3A_1137 = arith.cmpf ogt, %get3A_1132, %broadcast_in_dim3A : vector<16xf32>
      %jit3A_1138 = arith.constant 1.000000e+00 : f32
      %jit3A_1139 = arith.constant 0.000000e+00 : f32
      %broadcast_in_dim3A_1140 = vector.broadcast %jit3A_1138 : f32 to vector<16xf32>
      %broadcast_in_dim3A_1141 = vector.broadcast %jit3A_1139 : f32 to vector<16xf32>
      %select_n3A_1142 = arith.select %gt3A_1137, %broadcast_in_dim3A_1140, %broadcast_in_dim3A_1141 : vector<16xi1>, vector<16xf32>
      %add3A_1143 = arith.addf %add3A_1125, %select_n3A_1142 : vector<16xf32>
      %eq3A_1144 = arith.cmpf oeq, %get3A_1132, %broadcast_in_dim3A : vector<16xf32>
      %jit3A_1145 = arith.constant 0.000000e+00 : f32
      %broadcast_in_dim3A_1146 = vector.broadcast %select_n3A_1136 : f32 to vector<16xf32>
      %broadcast_in_dim3A_1147 = vector.broadcast %jit3A_1145 : f32 to vector<16xf32>
      %select_n3A_1148 = arith.select %eq3A_1144, %broadcast_in_dim3A_1146, %broadcast_in_dim3A_1147 : vector<16xi1>, vector<16xf32>
      %add3A_1149 = arith.addf %add3A_1143, %select_n3A_1148 : vector<16xf32>
      %scan3A_1150 = arith.constant 6 : i32
      %scan3A_1151 = arith.addi %scan3A_1006, %scan3A_1150 : i32
      %mul3A_1152 = arith.constant 16 : i32
      %mul3A_1153 = arith.muli %scan3A_1151, %mul3A_1152 : i32
      %get3A_1154 = arith.index_cast %mul3A_1153 : i32 to index
      %get3A_1155 = tpu.vector_load %arg6[%get3A_1154] {strides = array<i32>} : memref<100000xf32, #tpu.memory_space<vmem>>, vector<16xf32>,
      %get3A_1156 = vector.shape_cast %get3A_1155 : vector<16xf32> to vector<16xf32>
      %lt3A_1157 = arith.cmpi slt, %scan3A_1151, %select_n3A_178 : i32
      %jit3A_1158 = arith.constant 1.000000e+00 : f32
      %jit3A_1159 = arith.constant 0.000000e+00 : f32
      %select_n3A_1160 = arith.select %lt3A_1157, %jit3A_1158, %jit3A_1159 : f32
      %gt3A_1161 = arith.cmpf ogt, %get3A_1156, %broadcast_in_dim3A : vector<16xf32>
      %jit3A_1162 = arith.constant 1.000000e+00 : f32
      %jit3A_1163 = arith.constant 0.000000e+00 : f32
      %broadcast_in_dim3A_1164 = vector.broadcast %jit3A_1162 : f32 to vector<16xf32>
      %broadcast_in_dim3A_1165 = vector.broadcast %jit3A_1163 : f32 to vector<16xf32>
      %select_n3A_1166 = arith.select %gt3A_1161, %broadcast_in_dim3A_1164, %broadcast_in_dim3A_1165 : vector<16xi1>, vector<16xf32>
      %add3A_1167 = arith.addf %add3A_1149, %select_n3A_1166 : vector<16xf32>
      %eq3A_1168 = arith.cmpf oeq, %get3A_1156, %broadcast_in_dim3A : vector<16xf32>
      %jit3A_1169 = arith.constant 0.000000e+00 : f32
      %broadcast_in_dim3A_1170 = vector.broadcast %select_n3A_1160 : f32 to vector<16xf32>
      %broadcast_in_dim3A_1171 = vector.broadcast %jit3A_1169 : f32 to vector<16xf32>
      %select_n3A_1172 = arith.select %eq3A_1168, %broadcast_in_dim3A_1170, %broadcast_in_dim3A_1171 : vector<16xi1>, vector<16xf32>
      %add3A_1173 = arith.addf %add3A_1167, %select_n3A_1172 : vector<16xf32>
      %scan3A_1174 = arith.constant 7 : i32
      %scan3A_1175 = arith.addi %scan3A_1006, %scan3A_1174 : i32
      %mul3A_1176 = arith.constant 16 : i32
      %mul3A_1177 = arith.muli %scan3A_1175, %mul3A_1176 : i32
      %get3A_1178 = arith.index_cast %mul3A_1177 : i32 to index
      %get3A_1179 = tpu.vector_load %arg6[%get3A_1178] {strides = array<i32>} : memref<100000xf32, #tpu.memory_space<vmem>>, vector<16xf32>,
      %get3A_1180 = vector.shape_cast %get3A_1179 : vector<16xf32> to vector<16xf32>
      %lt3A_1181 = arith.cmpi slt, %scan3A_1175, %select_n3A_178 : i32
      %jit3A_1182 = arith.constant 1.000000e+00 : f32
      %jit3A_1183 = arith.constant 0.000000e+00 : f32
      %select_n3A_1184 = arith.select %lt3A_1181, %jit3A_1182, %jit3A_1183 : f32
      %gt3A_1185 = arith.cmpf ogt, %get3A_1180, %broadcast_in_dim3A : vector<16xf32>
      %jit3A_1186 = arith.constant 1.000000e+00 : f32
      %jit3A_1187 = arith.constant 0.000000e+00 : f32
      %broadcast_in_dim3A_1188 = vector.broadcast %jit3A_1186 : f32 to vector<16xf32>
      %broadcast_in_dim3A_1189 = vector.broadcast %jit3A_1187 : f32 to vector<16xf32>
      %select_n3A_1190 = arith.select %gt3A_1185, %broadcast_in_dim3A_1188, %broadcast_in_dim3A_1189 : vector<16xi1>, vector<16xf32>
      %add3A_1191 = arith.addf %add3A_1173, %select_n3A_1190 : vector<16xf32>
      %eq3A_1192 = arith.cmpf oeq, %get3A_1180, %broadcast_in_dim3A : vector<16xf32>
      %jit3A_1193 = arith.constant 0.000000e+00 : f32
      %broadcast_in_dim3A_1194 = vector.broadcast %select_n3A_1184 : f32 to vector<16xf32>
      %broadcast_in_dim3A_1195 = vector.broadcast %jit3A_1193 : f32 to vector<16xf32>
      %select_n3A_1196 = arith.select %eq3A_1192, %broadcast_in_dim3A_1194, %broadcast_in_dim3A_1195 : vector<16xi1>, vector<16xf32>
      %add3A_1197 = arith.addf %add3A_1191, %select_n3A_1196 : vector<16xf32>
      scf.yield %add3A_1197 : vector<16xf32>
    }
    %scan3A_289 = arith.constant 6248 : i32
    %scan3A_290 = arith.addi %scan3A, %scan3A_289 : i32
    %mul3A_291 = arith.constant 16 : i32
    %mul3A_292 = arith.muli %scan3A_290, %mul3A_291 : i32
    %get3A_293 = arith.index_cast %mul3A_292 : i32 to index
    %get3A_294 = tpu.vector_load %arg6[%get3A_293] {strides = array<i32>} : memref<100000xf32, #tpu.memory_space<vmem>>, vector<16xf32>,
    %get3A_295 = vector.shape_cast %get3A_294 : vector<16xf32> to vector<16xf32>
    %lt3A_296 = arith.cmpi slt, %scan3A_290, %select_n3A_178 : i32
    %jit3A_297 = arith.constant 1.000000e+00 : f32
    %jit3A_298 = arith.constant 0.000000e+00 : f32
    %select_n3A_299 = arith.select %lt3A_296, %jit3A_297, %jit3A_298 : f32
    %gt3A = arith.cmpf ogt, %get3A_295, %broadcast_in_dim3A : vector<16xf32>
    %jit3A_300 = arith.constant 1.000000e+00 : f32
    %jit3A_301 = arith.constant 0.000000e+00 : f32
    %broadcast_in_dim3A_302 = vector.broadcast %jit3A_300 : f32 to vector<16xf32>
    %broadcast_in_dim3A_303 = vector.broadcast %jit3A_301 : f32 to vector<16xf32>
    %select_n3A_304 = arith.select %gt3A, %broadcast_in_dim3A_302, %broadcast_in_dim3A_303 : vector<16xi1>, vector<16xf32>
    %add3A_305 = arith.addf %scan3A_288, %select_n3A_304 : vector<16xf32>
    %eq3A_306 = arith.cmpf oeq, %get3A_295, %broadcast_in_dim3A : vector<16xf32>
    %jit3A_307 = arith.constant 0.000000e+00 : f32
    %broadcast_in_dim3A_308 = vector.broadcast %select_n3A_299 : f32 to vector<16xf32>
    %broadcast_in_dim3A_309 = vector.broadcast %jit3A_307 : f32 to vector<16xf32>
    %select_n3A_310 = arith.select %eq3A_306, %broadcast_in_dim3A_308, %broadcast_in_dim3A_309 : vector<16xi1>, vector<16xf32>
    %add3A_311 = arith.addf %add3A_305, %select_n3A_310 : vector<16xf32>
    %scan3A_312 = arith.constant 6249 : i32
    %scan3A_313 = arith.addi %scan3A, %scan3A_312 : i32
    %mul3A_314 = arith.constant 16 : i32
    %mul3A_315 = arith.muli %scan3A_313, %mul3A_314 : i32
    %get3A_316 = arith.index_cast %mul3A_315 : i32 to index
    %get3A_317 = tpu.vector_load %arg6[%get3A_316] {strides = array<i32>} : memref<100000xf32, #tpu.memory_space<vmem>>, vector<16xf32>,
    %get3A_318 = vector.shape_cast %get3A_317 : vector<16xf32> to vector<16xf32>
    %lt3A_319 = arith.cmpi slt, %scan3A_313, %select_n3A_178 : i32
    %jit3A_320 = arith.constant 1.000000e+00 : f32
    %jit3A_321 = arith.constant 0.000000e+00 : f32
    %select_n3A_322 = arith.select %lt3A_319, %jit3A_320, %jit3A_321 : f32
    %gt3A_323 = arith.cmpf ogt, %get3A_318, %broadcast_in_dim3A : vector<16xf32>
    %jit3A_324 = arith.constant 1.000000e+00 : f32
    %jit3A_325 = arith.constant 0.000000e+00 : f32
    %broadcast_in_dim3A_326 = vector.broadcast %jit3A_324 : f32 to vector<16xf32>
    %broadcast_in_dim3A_327 = vector.broadcast %jit3A_325 : f32 to vector<16xf32>
    %select_n3A_328 = arith.select %gt3A_323, %broadcast_in_dim3A_326, %broadcast_in_dim3A_327 : vector<16xi1>, vector<16xf32>
    %add3A_329 = arith.addf %add3A_311, %select_n3A_328 : vector<16xf32>
    %eq3A_330 = arith.cmpf oeq, %get3A_318, %broadcast_in_dim3A : vector<16xf32>
    %jit3A_331 = arith.constant 0.000000e+00 : f32
    %broadcast_in_dim3A_332 = vector.broadcast %select_n3A_322 : f32 to vector<16xf32>
    %broadcast_in_dim3A_333 = vector.broadcast %jit3A_331 : f32 to vector<16xf32>
    %select_n3A_334 = arith.select %eq3A_330, %broadcast_in_dim3A_332, %broadcast_in_dim3A_333 : vector<16xi1>, vector<16xf32>
    %add3A_335 = arith.addf %add3A_329, %select_n3A_334 : vector<16xf32>
    %scan3A_336 = arith.constant 6250 : i32
    %swap3A = arith.constant 0 : index
    %swap3A_337 = tpu.vector_load %arg7[%swap3A] {strides = array<i32>} : memref<16xf32, #tpu.memory_space<vmem>>, vector<16xf32>,
    %swap3A_338 = vector.shape_cast %swap3A_337 : vector<16xf32> to vector<16xf32>
    %swap3A_339 = vector.shape_cast %add3A_335 : vector<16xf32> to vector<16xf32>
    tpu.vector_store %arg7[%swap3A], %swap3A_339 {strides = array<i32>} : memref<16xf32, #tpu.memory_space<vmem>>, vector<16xf32>,
    %sub3A_340 = arith.constant 928 : i32
    %sub3A_341 = arith.subi %add3A_4, %sub3A_340 : i32
    %add3A_342 = arith.constant 0 : i32
    %add3A_343 = arith.addi %sub3A_341, %add3A_342 : i32
    "tpu.region"() ({
      %run_scoped3A = tpu.sem_alloc : memref<!tpu.dma_semaphore, #tpu.memory_space<semaphore_mem>>
      %dma_start3A = arith.constant 0 : i32
      %dma_start3A_1006 = tpu.memref_slice %arg4[%add3A_343, %dma_start3A] : memref<96x16xf32, #tpu.memory_space<hbm>> -> memref<1x16xf32, #tpu.memory_space<hbm>>
      %dma_start3A_1007 = tpu.memref_squeeze %dma_start3A_1006 : memref<1x16xf32, #tpu.memory_space<hbm>> -> memref<16xf32, #tpu.memory_space<hbm>>
      %dma_start3A_1008 = arith.constant 0 : i32
      %dma_start3A_1009 = tpu.memref_slice %arg4[%add3A_343, %dma_start3A_1008] : memref<96x16xf32, #tpu.memory_space<hbm>> -> memref<1x16xf32, #tpu.memory_space<hbm>>
      %dma_start3A_1010 = tpu.memref_squeeze %dma_start3A_1009 : memref<1x16xf32, #tpu.memory_space<hbm>> -> memref<16xf32, #tpu.memory_space<hbm>>
      tpu.enqueue_dma source(%arg7 : memref<16xf32, #tpu.memory_space<vmem>>) target(%dma_start3A_1010 : memref<16xf32, #tpu.memory_space<hbm>>) target_semaphore(%run_scoped3A : memref<!tpu.dma_semaphore, #tpu.memory_space<semaphore_mem>>)
      %dma_wait3A = arith.constant 0 : i32
      %dma_wait3A_1011 = tpu.memref_slice %arg4[%add3A_343, %dma_wait3A] : memref<96x16xf32, #tpu.memory_space<hbm>> -> memref<1x16xf32, #tpu.memory_space<hbm>>
      %dma_wait3A_1012 = tpu.memref_squeeze %dma_wait3A_1011 : memref<1x16xf32, #tpu.memory_space<hbm>> -> memref<16xf32, #tpu.memory_space<hbm>>
      %dma_wait3A_1013 = arith.constant 0 : i32
      %dma_wait3A_1014 = tpu.memref_slice %arg4[%add3A_343, %dma_wait3A_1013] : memref<96x16xf32, #tpu.memory_space<hbm>> -> memref<1x16xf32, #tpu.memory_space<hbm>>
      %dma_wait3A_1015 = tpu.memref_squeeze %dma_wait3A_1014 : memref<1x16xf32, #tpu.memory_space<hbm>> -> memref<16xf32, #tpu.memory_space<hbm>>
      tpu.wait_dma2 semaphore(%run_scoped3A : memref<!tpu.dma_semaphore, #tpu.memory_space<semaphore_mem>>) src(%arg7 : memref<16xf32, #tpu.memory_space<vmem>>) dst(%dma_wait3A_1015 : memref<16xf32, #tpu.memory_space<hbm>>)
      tpu.yield
    }) : () -> ()
    %add3A_344 = arith.constant 1 : i32
    %add3A_345 = arith.addi %sub3A_23, %add3A_344 : i32
    %eq3A_346 = arith.constant 0 : i32
    %eq3A_347 = arith.cmpi eq, %add3A_345, %eq3A_346 : i32
    %get3A_348 = arith.constant 0 : index
    %get3A_349 = tpu.vector_load %arg5[%get3A_348] {strides = array<i32>} : memref<16xi32, #tpu.memory_space<vmem>>, vector<16xi32>,
    %get3A_350 = vector.shape_cast %get3A_349 : vector<16xi32> to vector<16xi32>
    %slice3A_351 = vector.extract_strided_slice %get3A_350 {offsets = [0], sizes = [1], strides = [1]} : vector<16xi32> to vector<1xi32>
    %squeeze3A_352 = vector.extract %slice3A_351[0] : i32 from vector<1xi32>
    %jit3A_353 = arith.constant 0 : i32
    %select_n3A_354 = arith.select %eq3A_347, %squeeze3A_352, %jit3A_353 : i32
    %eq3A_355 = arith.constant 1 : i32
    %eq3A_356 = arith.cmpi eq, %add3A_345, %eq3A_355 : i32
    %get3A_357 = arith.constant 0 : index
    %get3A_358 = tpu.vector_load %arg5[%get3A_357] {strides = array<i32>} : memref<16xi32, #tpu.memory_space<vmem>>, vector<16xi32>,
    %get3A_359 = vector.shape_cast %get3A_358 : vector<16xi32> to vector<16xi32>
    %slice3A_360 = vector.extract_strided_slice %get3A_359 {offsets = [1], sizes = [1], strides = [1]} : vector<16xi32> to vector<1xi32>
    %squeeze3A_361 = vector.extract %slice3A_360[0] : i32 from vector<1xi32>
    %select_n3A_362 = arith.select %eq3A_356, %squeeze3A_361, %select_n3A_354 : i32
    %eq3A_363 = arith.constant 2 : i32
    %eq3A_364 = arith.cmpi eq, %add3A_345, %eq3A_363 : i32
    %get3A_365 = arith.constant 0 : index
    %get3A_366 = tpu.vector_load %arg5[%get3A_365] {strides = array<i32>} : memref<16xi32, #tpu.memory_space<vmem>>, vector<16xi32>,
    %get3A_367 = vector.shape_cast %get3A_366 : vector<16xi32> to vector<16xi32>
    %slice3A_368 = vector.extract_strided_slice %get3A_367 {offsets = [2], sizes = [1], strides = [1]} : vector<16xi32> to vector<1xi32>
    %squeeze3A_369 = vector.extract %slice3A_368[0] : i32 from vector<1xi32>
    %select_n3A_370 = arith.select %eq3A_364, %squeeze3A_369, %select_n3A_362 : i32
    %eq3A_371 = arith.constant 3 : i32
    %eq3A_372 = arith.cmpi eq, %add3A_345, %eq3A_371 : i32
    %get3A_373 = arith.constant 0 : index
    %get3A_374 = tpu.vector_load %arg5[%get3A_373] {strides = array<i32>} : memref<16xi32, #tpu.memory_space<vmem>>, vector<16xi32>,
    %get3A_375 = vector.shape_cast %get3A_374 : vector<16xi32> to vector<16xi32>
    %slice3A_376 = vector.extract_strided_slice %get3A_375 {offsets = [3], sizes = [1], strides = [1]} : vector<16xi32> to vector<1xi32>
    %squeeze3A_377 = vector.extract %slice3A_376[0] : i32 from vector<1xi32>
    %select_n3A_378 = arith.select %eq3A_372, %squeeze3A_377, %select_n3A_370 : i32
    %eq3A_379 = arith.constant 4 : i32
    %eq3A_380 = arith.cmpi eq, %add3A_345, %eq3A_379 : i32
    %get3A_381 = arith.constant 0 : index
    %get3A_382 = tpu.vector_load %arg5[%get3A_381] {strides = array<i32>} : memref<16xi32, #tpu.memory_space<vmem>>, vector<16xi32>,
    %get3A_383 = vector.shape_cast %get3A_382 : vector<16xi32> to vector<16xi32>
    %slice3A_384 = vector.extract_strided_slice %get3A_383 {offsets = [4], sizes = [1], strides = [1]} : vector<16xi32> to vector<1xi32>
    %squeeze3A_385 = vector.extract %slice3A_384[0] : i32 from vector<1xi32>
    %select_n3A_386 = arith.select %eq3A_380, %squeeze3A_385, %select_n3A_378 : i32
    %eq3A_387 = arith.constant 5 : i32
    %eq3A_388 = arith.cmpi eq, %add3A_345, %eq3A_387 : i32
    %get3A_389 = arith.constant 0 : index
    %get3A_390 = tpu.vector_load %arg5[%get3A_389] {strides = array<i32>} : memref<16xi32, #tpu.memory_space<vmem>>, vector<16xi32>,
    %get3A_391 = vector.shape_cast %get3A_390 : vector<16xi32> to vector<16xi32>
    %slice3A_392 = vector.extract_strided_slice %get3A_391 {offsets = [5], sizes = [1], strides = [1]} : vector<16xi32> to vector<1xi32>
    %squeeze3A_393 = vector.extract %slice3A_392[0] : i32 from vector<1xi32>
    %select_n3A_394 = arith.select %eq3A_388, %squeeze3A_393, %select_n3A_386 : i32
    %eq3A_395 = arith.constant 6 : i32
    %eq3A_396 = arith.cmpi eq, %add3A_345, %eq3A_395 : i32
    %get3A_397 = arith.constant 0 : index
    %get3A_398 = tpu.vector_load %arg5[%get3A_397] {strides = array<i32>} : memref<16xi32, #tpu.memory_space<vmem>>, vector<16xi32>,
    %get3A_399 = vector.shape_cast %get3A_398 : vector<16xi32> to vector<16xi32>
    %slice3A_400 = vector.extract_strided_slice %get3A_399 {offsets = [6], sizes = [1], strides = [1]} : vector<16xi32> to vector<1xi32>
    %squeeze3A_401 = vector.extract %slice3A_400[0] : i32 from vector<1xi32>
    %select_n3A_402 = arith.select %eq3A_396, %squeeze3A_401, %select_n3A_394 : i32
    %eq3A_403 = arith.constant 7 : i32
    %eq3A_404 = arith.cmpi eq, %add3A_345, %eq3A_403 : i32
    %get3A_405 = arith.constant 0 : index
    %get3A_406 = tpu.vector_load %arg5[%get3A_405] {strides = array<i32>} : memref<16xi32, #tpu.memory_space<vmem>>, vector<16xi32>,
    %get3A_407 = vector.shape_cast %get3A_406 : vector<16xi32> to vector<16xi32>
    %slice3A_408 = vector.extract_strided_slice %get3A_407 {offsets = [7], sizes = [1], strides = [1]} : vector<16xi32> to vector<1xi32>
    %squeeze3A_409 = vector.extract %slice3A_408[0] : i32 from vector<1xi32>
    %select_n3A_410 = arith.select %eq3A_404, %squeeze3A_409, %select_n3A_402 : i32
    %eq3A_411 = arith.constant 8 : i32
    %eq3A_412 = arith.cmpi eq, %add3A_345, %eq3A_411 : i32
    %get3A_413 = arith.constant 0 : index
    %get3A_414 = tpu.vector_load %arg5[%get3A_413] {strides = array<i32>} : memref<16xi32, #tpu.memory_space<vmem>>, vector<16xi32>,
    %get3A_415 = vector.shape_cast %get3A_414 : vector<16xi32> to vector<16xi32>
    %slice3A_416 = vector.extract_strided_slice %get3A_415 {offsets = [8], sizes = [1], strides = [1]} : vector<16xi32> to vector<1xi32>
    %squeeze3A_417 = vector.extract %slice3A_416[0] : i32 from vector<1xi32>
    %select_n3A_418 = arith.select %eq3A_412, %squeeze3A_417, %select_n3A_410 : i32
    %eq3A_419 = arith.constant 9 : i32
    %eq3A_420 = arith.cmpi eq, %add3A_345, %eq3A_419 : i32
    %get3A_421 = arith.constant 0 : index
    %get3A_422 = tpu.vector_load %arg5[%get3A_421] {strides = array<i32>} : memref<16xi32, #tpu.memory_space<vmem>>, vector<16xi32>,
    %get3A_423 = vector.shape_cast %get3A_422 : vector<16xi32> to vector<16xi32>
    %slice3A_424 = vector.extract_strided_slice %get3A_423 {offsets = [9], sizes = [1], strides = [1]} : vector<16xi32> to vector<1xi32>
    %squeeze3A_425 = vector.extract %slice3A_424[0] : i32 from vector<1xi32>
    %select_n3A_426 = arith.select %eq3A_420, %squeeze3A_425, %select_n3A_418 : i32
    %eq3A_427 = arith.constant 10 : i32
    %eq3A_428 = arith.cmpi eq, %add3A_345, %eq3A_427 : i32
    %get3A_429 = arith.constant 0 : index
    %get3A_430 = tpu.vector_load %arg5[%get3A_429] {strides = array<i32>} : memref<16xi32, #tpu.memory_space<vmem>>, vector<16xi32>,
    %get3A_431 = vector.shape_cast %get3A_430 : vector<16xi32> to vector<16xi32>
    %slice3A_432 = vector.extract_strided_slice %get3A_431 {offsets = [10], sizes = [1], strides = [1]} : vector<16xi32> to vector<1xi32>
    %squeeze3A_433 = vector.extract %slice3A_432[0] : i32 from vector<1xi32>
    %select_n3A_434 = arith.select %eq3A_428, %squeeze3A_433, %select_n3A_426 : i32
    %eq3A_435 = arith.constant 11 : i32
    %eq3A_436 = arith.cmpi eq, %add3A_345, %eq3A_435 : i32
    %get3A_437 = arith.constant 0 : index
    %get3A_438 = tpu.vector_load %arg5[%get3A_437] {strides = array<i32>} : memref<16xi32, #tpu.memory_space<vmem>>, vector<16xi32>,
    %get3A_439 = vector.shape_cast %get3A_438 : vector<16xi32> to vector<16xi32>
    %slice3A_440 = vector.extract_strided_slice %get3A_439 {offsets = [11], sizes = [1], strides = [1]} : vector<16xi32> to vector<1xi32>
    %squeeze3A_441 = vector.extract %slice3A_440[0] : i32 from vector<1xi32>
    %select_n3A_442 = arith.select %eq3A_436, %squeeze3A_441, %select_n3A_434 : i32
    %eq3A_443 = arith.constant 12 : i32
    %eq3A_444 = arith.cmpi eq, %add3A_345, %eq3A_443 : i32
    %get3A_445 = arith.constant 0 : index
    %get3A_446 = tpu.vector_load %arg5[%get3A_445] {strides = array<i32>} : memref<16xi32, #tpu.memory_space<vmem>>, vector<16xi32>,
    %get3A_447 = vector.shape_cast %get3A_446 : vector<16xi32> to vector<16xi32>
    %slice3A_448 = vector.extract_strided_slice %get3A_447 {offsets = [12], sizes = [1], strides = [1]} : vector<16xi32> to vector<1xi32>
    %squeeze3A_449 = vector.extract %slice3A_448[0] : i32 from vector<1xi32>
    %select_n3A_450 = arith.select %eq3A_444, %squeeze3A_449, %select_n3A_442 : i32
    %eq3A_451 = arith.constant 13 : i32
    %eq3A_452 = arith.cmpi eq, %add3A_345, %eq3A_451 : i32
    %get3A_453 = arith.constant 0 : index
    %get3A_454 = tpu.vector_load %arg5[%get3A_453] {strides = array<i32>} : memref<16xi32, #tpu.memory_space<vmem>>, vector<16xi32>,
    %get3A_455 = vector.shape_cast %get3A_454 : vector<16xi32> to vector<16xi32>
    %slice3A_456 = vector.extract_strided_slice %get3A_455 {offsets = [13], sizes = [1], strides = [1]} : vector<16xi32> to vector<1xi32>
    %squeeze3A_457 = vector.extract %slice3A_456[0] : i32 from vector<1xi32>
    %select_n3A_458 = arith.select %eq3A_452, %squeeze3A_457, %select_n3A_450 : i32
    %eq3A_459 = arith.constant 14 : i32
    %eq3A_460 = arith.cmpi eq, %add3A_345, %eq3A_459 : i32
    %get3A_461 = arith.constant 0 : index
    %get3A_462 = tpu.vector_load %arg5[%get3A_461] {strides = array<i32>} : memref<16xi32, #tpu.memory_space<vmem>>, vector<16xi32>,
    %get3A_463 = vector.shape_cast %get3A_462 : vector<16xi32> to vector<16xi32>
    %slice3A_464 = vector.extract_strided_slice %get3A_463 {offsets = [14], sizes = [1], strides = [1]} : vector<16xi32> to vector<1xi32>
    %squeeze3A_465 = vector.extract %slice3A_464[0] : i32 from vector<1xi32>
    %select_n3A_466 = arith.select %eq3A_460, %squeeze3A_465, %select_n3A_458 : i32
    %eq3A_467 = arith.constant 15 : i32
    %eq3A_468 = arith.cmpi eq, %add3A_345, %eq3A_467 : i32
    %get3A_469 = arith.constant 0 : index
    %get3A_470 = tpu.vector_load %arg5[%get3A_469] {strides = array<i32>} : memref<16xi32, #tpu.memory_space<vmem>>, vector<16xi32>,
    %get3A_471 = vector.shape_cast %get3A_470 : vector<16xi32> to vector<16xi32>
    %slice3A_472 = vector.extract_strided_slice %get3A_471 {offsets = [15], sizes = [1], strides = [1]} : vector<16xi32> to vector<1xi32>
    %squeeze3A_473 = vector.extract %slice3A_472[0] : i32 from vector<1xi32>
    %select_n3A_474 = arith.select %eq3A_468, %squeeze3A_473, %select_n3A_466 : i32
    %jit3A_475 = arith.constant 0 : i32
    %jit3A_476 = arith.constant 99999 : i32
    %max3A_477 = arith.maxsi %jit3A_475, %select_n3A_474 : i32
    %min3A_478 = arith.minsi %jit3A_476, %max3A_477 : i32
    %add3A_479 = arith.constant 1 : i32
    %add3A_480 = arith.addi %add3A_4, %add3A_479 : i32
    "tpu.region"() ({
      %run_scoped3A = tpu.sem_alloc : memref<!tpu.dma_semaphore, #tpu.memory_space<semaphore_mem>>
      %dma_start3A = arith.constant 0 : i32
      %dma_start3A_1006 = tpu.memref_slice %arg3[%add3A_480, %dma_start3A] : memref<1024x100000xf32, #tpu.memory_space<hbm>> -> memref<1x100000xf32, #tpu.memory_space<hbm>>
      %dma_start3A_1007 = tpu.memref_squeeze %dma_start3A_1006 : memref<1x100000xf32, #tpu.memory_space<hbm>> -> memref<100000xf32, #tpu.memory_space<hbm>>
      %dma_start3A_1008 = arith.constant 0 : i32
      %dma_start3A_1009 = tpu.memref_slice %arg3[%add3A_480, %dma_start3A_1008] : memref<1024x100000xf32, #tpu.memory_space<hbm>> -> memref<1x100000xf32, #tpu.memory_space<hbm>>
      %dma_start3A_1010 = tpu.memref_squeeze %dma_start3A_1009 : memref<1x100000xf32, #tpu.memory_space<hbm>> -> memref<100000xf32, #tpu.memory_space<hbm>>
      tpu.enqueue_dma source(%dma_start3A_1010 : memref<100000xf32, #tpu.memory_space<hbm>>) target(%arg6 : memref<100000xf32, #tpu.memory_space<vmem>>) target_semaphore(%run_scoped3A : memref<!tpu.dma_semaphore, #tpu.memory_space<semaphore_mem>>)
      %dma_wait3A = arith.constant 0 : i32
      %dma_wait3A_1011 = tpu.memref_slice %arg3[%add3A_480, %dma_wait3A] : memref<1024x100000xf32, #tpu.memory_space<hbm>> -> memref<1x100000xf32, #tpu.memory_space<hbm>>
      %dma_wait3A_1012 = tpu.memref_squeeze %dma_wait3A_1011 : memref<1x100000xf32, #tpu.memory_space<hbm>> -> memref<100000xf32, #tpu.memory_space<hbm>>
      %dma_wait3A_1013 = arith.constant 0 : i32
      %dma_wait3A_1014 = tpu.memref_slice %arg3[%add3A_480, %dma_wait3A_1013] : memref<1024x100000xf32, #tpu.memory_space<hbm>> -> memref<1x100000xf32, #tpu.memory_space<hbm>>
      %dma_wait3A_1015 = tpu.memref_squeeze %dma_wait3A_1014 : memref<1x100000xf32, #tpu.memory_space<hbm>> -> memref<100000xf32, #tpu.memory_space<hbm>>
      tpu.wait_dma2 semaphore(%run_scoped3A : memref<!tpu.dma_semaphore, #tpu.memory_space<semaphore_mem>>) src(%dma_wait3A_1015 : memref<100000xf32, #tpu.memory_space<hbm>>) dst(%arg6 : memref<100000xf32, #tpu.memory_space<vmem>>)
      tpu.yield
    }) : () -> ()
    %jit3A_481 = arith.constant 16 : i32
    %div3A_482 = arith.divsi %min3A_478, %jit3A_481 : i32
    %sign3A_483 = arith.constant 0 : i32
    %sign3A_484 = arith.cmpi sgt, %min3A_478, %sign3A_483 : i32
    %sign3A_485 = arith.extui %sign3A_484 : i1 to i32
    %sign3A_486 = arith.constant 0 : i32
    %sign3A_487 = arith.cmpi slt, %min3A_478, %sign3A_486 : i32
    %sign3A_488 = arith.extui %sign3A_487 : i1 to i32
    %sign3A_489 = arith.subi %sign3A_485, %sign3A_488 : i32
    %sign3A_490 = arith.constant 0 : i32
    %sign3A_491 = arith.cmpi sgt, %jit3A_481, %sign3A_490 : i32
    %sign3A_492 = arith.extui %sign3A_491 : i1 to i32
    %sign3A_493 = arith.constant 0 : i32
    %sign3A_494 = arith.cmpi slt, %jit3A_481, %sign3A_493 : i32
    %sign3A_495 = arith.extui %sign3A_494 : i1 to i32
    %sign3A_496 = arith.subi %sign3A_492, %sign3A_495 : i32
    %ne3A_497 = arith.cmpi ne, %sign3A_489, %sign3A_496 : i32
    %rem3A_498 = arith.remsi %min3A_478, %jit3A_481 : i32
    %ne3A_499 = arith.constant 0 : i32
    %ne3A_500 = arith.cmpi ne, %rem3A_498, %ne3A_499 : i32
    %and3A_501 = arith.andi %ne3A_497, %ne3A_500 : i1
    %sub3A_502 = arith.constant 1 : i32
    %sub3A_503 = arith.subi %div3A_482, %sub3A_502 : i32
    %select_n3A_504 = arith.select %and3A_501, %sub3A_503, %div3A_482 : i32
    %mul3A_505 = arith.constant 16 : i32
    %mul3A_506 = arith.muli %select_n3A_504, %mul3A_505 : i32
    %sub3A_507 = arith.subi %min3A_478, %mul3A_506 : i32
    %mul3A_508 = arith.constant 16 : i32
    %mul3A_509 = arith.muli %select_n3A_504, %mul3A_508 : i32
    %get3A_510 = arith.index_cast %mul3A_509 : i32 to index
    %get3A_511 = tpu.vector_load %arg6[%get3A_510] {strides = array<i32>} : memref<100000xf32, #tpu.memory_space<vmem>>, vector<16xf32>,
    %get3A_512 = vector.shape_cast %get3A_511 : vector<16xf32> to vector<16xf32>
    %eq3A_513 = arith.constant 0 : i32
    %eq3A_514 = arith.cmpi eq, %sub3A_507, %eq3A_513 : i32
    %slice3A_515 = vector.extract_strided_slice %get3A_512 {offsets = [0], sizes = [1], strides = [1]} : vector<16xf32> to vector<1xf32>
    %squeeze3A_516 = vector.extract %slice3A_515[0] : f32 from vector<1xf32>
    %jit3A_517 = arith.constant 0.000000e+00 : f32
    %select_n3A_518 = arith.select %eq3A_514, %squeeze3A_516, %jit3A_517 : f32
    %eq3A_519 = arith.constant 1 : i32
    %eq3A_520 = arith.cmpi eq, %sub3A_507, %eq3A_519 : i32
    %slice3A_521 = vector.extract_strided_slice %get3A_512 {offsets = [1], sizes = [1], strides = [1]} : vector<16xf32> to vector<1xf32>
    %squeeze3A_522 = vector.extract %slice3A_521[0] : f32 from vector<1xf32>
    %select_n3A_523 = arith.select %eq3A_520, %squeeze3A_522, %select_n3A_518 : f32
    %eq3A_524 = arith.constant 2 : i32
    %eq3A_525 = arith.cmpi eq, %sub3A_507, %eq3A_524 : i32
    %slice3A_526 = vector.extract_strided_slice %get3A_512 {offsets = [2], sizes = [1], strides = [1]} : vector<16xf32> to vector<1xf32>
    %squeeze3A_527 = vector.extract %slice3A_526[0] : f32 from vector<1xf32>
    %select_n3A_528 = arith.select %eq3A_525, %squeeze3A_527, %select_n3A_523 : f32
    %eq3A_529 = arith.constant 3 : i32
    %eq3A_530 = arith.cmpi eq, %sub3A_507, %eq3A_529 : i32
    %slice3A_531 = vector.extract_strided_slice %get3A_512 {offsets = [3], sizes = [1], strides = [1]} : vector<16xf32> to vector<1xf32>
    %squeeze3A_532 = vector.extract %slice3A_531[0] : f32 from vector<1xf32>
    %select_n3A_533 = arith.select %eq3A_530, %squeeze3A_532, %select_n3A_528 : f32
    %eq3A_534 = arith.constant 4 : i32
    %eq3A_535 = arith.cmpi eq, %sub3A_507, %eq3A_534 : i32
    %slice3A_536 = vector.extract_strided_slice %get3A_512 {offsets = [4], sizes = [1], strides = [1]} : vector<16xf32> to vector<1xf32>
    %squeeze3A_537 = vector.extract %slice3A_536[0] : f32 from vector<1xf32>
    %select_n3A_538 = arith.select %eq3A_535, %squeeze3A_537, %select_n3A_533 : f32
    %eq3A_539 = arith.constant 5 : i32
    %eq3A_540 = arith.cmpi eq, %sub3A_507, %eq3A_539 : i32
    %slice3A_541 = vector.extract_strided_slice %get3A_512 {offsets = [5], sizes = [1], strides = [1]} : vector<16xf32> to vector<1xf32>
    %squeeze3A_542 = vector.extract %slice3A_541[0] : f32 from vector<1xf32>
    %select_n3A_543 = arith.select %eq3A_540, %squeeze3A_542, %select_n3A_538 : f32
    %eq3A_544 = arith.constant 6 : i32
    %eq3A_545 = arith.cmpi eq, %sub3A_507, %eq3A_544 : i32
    %slice3A_546 = vector.extract_strided_slice %get3A_512 {offsets = [6], sizes = [1], strides = [1]} : vector<16xf32> to vector<1xf32>
    %squeeze3A_547 = vector.extract %slice3A_546[0] : f32 from vector<1xf32>
    %select_n3A_548 = arith.select %eq3A_545, %squeeze3A_547, %select_n3A_543 : f32
    %eq3A_549 = arith.constant 7 : i32
    %eq3A_550 = arith.cmpi eq, %sub3A_507, %eq3A_549 : i32
    %slice3A_551 = vector.extract_strided_slice %get3A_512 {offsets = [7], sizes = [1], strides = [1]} : vector<16xf32> to vector<1xf32>
    %squeeze3A_552 = vector.extract %slice3A_551[0] : f32 from vector<1xf32>
    %select_n3A_553 = arith.select %eq3A_550, %squeeze3A_552, %select_n3A_548 : f32
    %eq3A_554 = arith.constant 8 : i32
    %eq3A_555 = arith.cmpi eq, %sub3A_507, %eq3A_554 : i32
    %slice3A_556 = vector.extract_strided_slice %get3A_512 {offsets = [8], sizes = [1], strides = [1]} : vector<16xf32> to vector<1xf32>
    %squeeze3A_557 = vector.extract %slice3A_556[0] : f32 from vector<1xf32>
    %select_n3A_558 = arith.select %eq3A_555, %squeeze3A_557, %select_n3A_553 : f32
    %eq3A_559 = arith.constant 9 : i32
    %eq3A_560 = arith.cmpi eq, %sub3A_507, %eq3A_559 : i32
    %slice3A_561 = vector.extract_strided_slice %get3A_512 {offsets = [9], sizes = [1], strides = [1]} : vector<16xf32> to vector<1xf32>
    %squeeze3A_562 = vector.extract %slice3A_561[0] : f32 from vector<1xf32>
    %select_n3A_563 = arith.select %eq3A_560, %squeeze3A_562, %select_n3A_558 : f32
    %eq3A_564 = arith.constant 10 : i32
    %eq3A_565 = arith.cmpi eq, %sub3A_507, %eq3A_564 : i32
    %slice3A_566 = vector.extract_strided_slice %get3A_512 {offsets = [10], sizes = [1], strides = [1]} : vector<16xf32> to vector<1xf32>
    %squeeze3A_567 = vector.extract %slice3A_566[0] : f32 from vector<1xf32>
    %select_n3A_568 = arith.select %eq3A_565, %squeeze3A_567, %select_n3A_563 : f32
    %eq3A_569 = arith.constant 11 : i32
    %eq3A_570 = arith.cmpi eq, %sub3A_507, %eq3A_569 : i32
    %slice3A_571 = vector.extract_strided_slice %get3A_512 {offsets = [11], sizes = [1], strides = [1]} : vector<16xf32> to vector<1xf32>
    %squeeze3A_572 = vector.extract %slice3A_571[0] : f32 from vector<1xf32>
    %select_n3A_573 = arith.select %eq3A_570, %squeeze3A_572, %select_n3A_568 : f32
    %eq3A_574 = arith.constant 12 : i32
    %eq3A_575 = arith.cmpi eq, %sub3A_507, %eq3A_574 : i32
    %slice3A_576 = vector.extract_strided_slice %get3A_512 {offsets = [12], sizes = [1], strides = [1]} : vector<16xf32> to vector<1xf32>
    %squeeze3A_577 = vector.extract %slice3A_576[0] : f32 from vector<1xf32>
    %select_n3A_578 = arith.select %eq3A_575, %squeeze3A_577, %select_n3A_573 : f32
    %eq3A_579 = arith.constant 13 : i32
    %eq3A_580 = arith.cmpi eq, %sub3A_507, %eq3A_579 : i32
    %slice3A_581 = vector.extract_strided_slice %get3A_512 {offsets = [13], sizes = [1], strides = [1]} : vector<16xf32> to vector<1xf32>
    %squeeze3A_582 = vector.extract %slice3A_581[0] : f32 from vector<1xf32>
    %select_n3A_583 = arith.select %eq3A_580, %squeeze3A_582, %select_n3A_578 : f32
    %eq3A_584 = arith.constant 14 : i32
    %eq3A_585 = arith.cmpi eq, %sub3A_507, %eq3A_584 : i32
    %slice3A_586 = vector.extract_strided_slice %get3A_512 {offsets = [14], sizes = [1], strides = [1]} : vector<16xf32> to vector<1xf32>
    %squeeze3A_587 = vector.extract %slice3A_586[0] : f32 from vector<1xf32>
    %select_n3A_588 = arith.select %eq3A_585, %squeeze3A_587, %select_n3A_583 : f32
    %eq3A_589 = arith.constant 15 : i32
    %eq3A_590 = arith.cmpi eq, %sub3A_507, %eq3A_589 : i32
    %slice3A_591 = vector.extract_strided_slice %get3A_512 {offsets = [15], sizes = [1], strides = [1]} : vector<16xf32> to vector<1xf32>
    %squeeze3A_592 = vector.extract %slice3A_591[0] : f32 from vector<1xf32>
    %select_n3A_593 = arith.select %eq3A_590, %squeeze3A_592, %select_n3A_588 : f32
    %broadcast_in_dim3A_594 = vector.broadcast %select_n3A_593 : f32 to vector<16xf32>
    %mul3A_595 = arith.constant 16 : i32
    %mul3A_596 = arith.muli %select_n3A_504, %mul3A_595 : i32
    %add3A_597 = vector.broadcast %mul3A_596 : i32 to vector<16xi32>
    %add3A_598 = arith.addi %add3A_597, %iota3A : vector<16xi32>
    %eq3A_599 = arith.cmpf oeq, %get3A_512, %broadcast_in_dim3A_594 : vector<16xf32>
    %jit3A_600 = arith.constant 1.000000e+00 : f32
    %jit3A_601 = arith.constant 0.000000e+00 : f32
    %broadcast_in_dim3A_602 = vector.broadcast %jit3A_600 : f32 to vector<16xf32>
    %broadcast_in_dim3A_603 = vector.broadcast %jit3A_601 : f32 to vector<16xf32>
    %select_n3A_604 = arith.select %eq3A_599, %broadcast_in_dim3A_602, %broadcast_in_dim3A_603 : vector<16xi1>, vector<16xf32>
    %lt3A_605 = vector.broadcast %min3A_478 : i32 to vector<16xi32>
    %lt3A_606 = arith.cmpi slt, %add3A_598, %lt3A_605 : vector<16xi32>
    %jit3A_607 = arith.constant 1.000000e+00 : f32
    %jit3A_608 = arith.constant 0.000000e+00 : f32
    %broadcast_in_dim3A_609 = vector.broadcast %jit3A_607 : f32 to vector<16xf32>
    %broadcast_in_dim3A_610 = vector.broadcast %jit3A_608 : f32 to vector<16xf32>
    %select_n3A_611 = arith.select %lt3A_606, %broadcast_in_dim3A_609, %broadcast_in_dim3A_610 : vector<16xi1>, vector<16xf32>
    %mul3A_612 = arith.mulf %select_n3A_604, %select_n3A_611 : vector<16xf32>
    %scan3A_613 = arith.constant 0 : i32
    %scan3A_614 = arith.constant 6248 : i32
    %scan3A_615 = arith.addi %scan3A_613, %scan3A_614 : i32
    %scan3A_616 = arith.constant 8 : i32
    %scan3A_617 = scf.for %scan3A_1006 = %scan3A_613 to %scan3A_615 step %scan3A_616 iter_args(%scan3A_1007 = %mul3A_612) -> (vector<16xf32>)  : i32 {
      %mul3A_1008 = arith.constant 16 : i32
      %mul3A_1009 = arith.muli %scan3A_1006, %mul3A_1008 : i32
      %get3A_1010 = arith.index_cast %mul3A_1009 : i32 to index
      %get3A_1011 = tpu.vector_load %arg6[%get3A_1010] {strides = array<i32>} : memref<100000xf32, #tpu.memory_space<vmem>>, vector<16xf32>,
      %get3A_1012 = vector.shape_cast %get3A_1011 : vector<16xf32> to vector<16xf32>
      %lt3A_1013 = arith.cmpi slt, %scan3A_1006, %select_n3A_504 : i32
      %jit3A_1014 = arith.constant 1.000000e+00 : f32
      %jit3A_1015 = arith.constant 0.000000e+00 : f32
      %select_n3A_1016 = arith.select %lt3A_1013, %jit3A_1014, %jit3A_1015 : f32
      %gt3A_1017 = arith.cmpf ogt, %get3A_1012, %broadcast_in_dim3A_594 : vector<16xf32>
      %jit3A_1018 = arith.constant 1.000000e+00 : f32
      %jit3A_1019 = arith.constant 0.000000e+00 : f32
      %broadcast_in_dim3A_1020 = vector.broadcast %jit3A_1018 : f32 to vector<16xf32>
      %broadcast_in_dim3A_1021 = vector.broadcast %jit3A_1019 : f32 to vector<16xf32>
      %select_n3A_1022 = arith.select %gt3A_1017, %broadcast_in_dim3A_1020, %broadcast_in_dim3A_1021 : vector<16xi1>, vector<16xf32>
      %add3A_1023 = arith.addf %scan3A_1007, %select_n3A_1022 : vector<16xf32>
      %eq3A_1024 = arith.cmpf oeq, %get3A_1012, %broadcast_in_dim3A_594 : vector<16xf32>
      %jit3A_1025 = arith.constant 0.000000e+00 : f32
      %broadcast_in_dim3A_1026 = vector.broadcast %select_n3A_1016 : f32 to vector<16xf32>
      %broadcast_in_dim3A_1027 = vector.broadcast %jit3A_1025 : f32 to vector<16xf32>
      %select_n3A_1028 = arith.select %eq3A_1024, %broadcast_in_dim3A_1026, %broadcast_in_dim3A_1027 : vector<16xi1>, vector<16xf32>
      %add3A_1029 = arith.addf %add3A_1023, %select_n3A_1028 : vector<16xf32>
      %scan3A_1030 = arith.constant 1 : i32
      %scan3A_1031 = arith.addi %scan3A_1006, %scan3A_1030 : i32
      %mul3A_1032 = arith.constant 16 : i32
      %mul3A_1033 = arith.muli %scan3A_1031, %mul3A_1032 : i32
      %get3A_1034 = arith.index_cast %mul3A_1033 : i32 to index
      %get3A_1035 = tpu.vector_load %arg6[%get3A_1034] {strides = array<i32>} : memref<100000xf32, #tpu.memory_space<vmem>>, vector<16xf32>,
      %get3A_1036 = vector.shape_cast %get3A_1035 : vector<16xf32> to vector<16xf32>
      %lt3A_1037 = arith.cmpi slt, %scan3A_1031, %select_n3A_504 : i32
      %jit3A_1038 = arith.constant 1.000000e+00 : f32
      %jit3A_1039 = arith.constant 0.000000e+00 : f32
      %select_n3A_1040 = arith.select %lt3A_1037, %jit3A_1038, %jit3A_1039 : f32
      %gt3A_1041 = arith.cmpf ogt, %get3A_1036, %broadcast_in_dim3A_594 : vector<16xf32>
      %jit3A_1042 = arith.constant 1.000000e+00 : f32
      %jit3A_1043 = arith.constant 0.000000e+00 : f32
      %broadcast_in_dim3A_1044 = vector.broadcast %jit3A_1042 : f32 to vector<16xf32>
      %broadcast_in_dim3A_1045 = vector.broadcast %jit3A_1043 : f32 to vector<16xf32>
      %select_n3A_1046 = arith.select %gt3A_1041, %broadcast_in_dim3A_1044, %broadcast_in_dim3A_1045 : vector<16xi1>, vector<16xf32>
      %add3A_1047 = arith.addf %add3A_1029, %select_n3A_1046 : vector<16xf32>
      %eq3A_1048 = arith.cmpf oeq, %get3A_1036, %broadcast_in_dim3A_594 : vector<16xf32>
      %jit3A_1049 = arith.constant 0.000000e+00 : f32
      %broadcast_in_dim3A_1050 = vector.broadcast %select_n3A_1040 : f32 to vector<16xf32>
      %broadcast_in_dim3A_1051 = vector.broadcast %jit3A_1049 : f32 to vector<16xf32>
      %select_n3A_1052 = arith.select %eq3A_1048, %broadcast_in_dim3A_1050, %broadcast_in_dim3A_1051 : vector<16xi1>, vector<16xf32>
      %add3A_1053 = arith.addf %add3A_1047, %select_n3A_1052 : vector<16xf32>
      %scan3A_1054 = arith.constant 2 : i32
      %scan3A_1055 = arith.addi %scan3A_1006, %scan3A_1054 : i32
      %mul3A_1056 = arith.constant 16 : i32
      %mul3A_1057 = arith.muli %scan3A_1055, %mul3A_1056 : i32
      %get3A_1058 = arith.index_cast %mul3A_1057 : i32 to index
      %get3A_1059 = tpu.vector_load %arg6[%get3A_1058] {strides = array<i32>} : memref<100000xf32, #tpu.memory_space<vmem>>, vector<16xf32>,
      %get3A_1060 = vector.shape_cast %get3A_1059 : vector<16xf32> to vector<16xf32>
      %lt3A_1061 = arith.cmpi slt, %scan3A_1055, %select_n3A_504 : i32
      %jit3A_1062 = arith.constant 1.000000e+00 : f32
      %jit3A_1063 = arith.constant 0.000000e+00 : f32
      %select_n3A_1064 = arith.select %lt3A_1061, %jit3A_1062, %jit3A_1063 : f32
      %gt3A_1065 = arith.cmpf ogt, %get3A_1060, %broadcast_in_dim3A_594 : vector<16xf32>
      %jit3A_1066 = arith.constant 1.000000e+00 : f32
      %jit3A_1067 = arith.constant 0.000000e+00 : f32
      %broadcast_in_dim3A_1068 = vector.broadcast %jit3A_1066 : f32 to vector<16xf32>
      %broadcast_in_dim3A_1069 = vector.broadcast %jit3A_1067 : f32 to vector<16xf32>
      %select_n3A_1070 = arith.select %gt3A_1065, %broadcast_in_dim3A_1068, %broadcast_in_dim3A_1069 : vector<16xi1>, vector<16xf32>
      %add3A_1071 = arith.addf %add3A_1053, %select_n3A_1070 : vector<16xf32>
      %eq3A_1072 = arith.cmpf oeq, %get3A_1060, %broadcast_in_dim3A_594 : vector<16xf32>
      %jit3A_1073 = arith.constant 0.000000e+00 : f32
      %broadcast_in_dim3A_1074 = vector.broadcast %select_n3A_1064 : f32 to vector<16xf32>
      %broadcast_in_dim3A_1075 = vector.broadcast %jit3A_1073 : f32 to vector<16xf32>
      %select_n3A_1076 = arith.select %eq3A_1072, %broadcast_in_dim3A_1074, %broadcast_in_dim3A_1075 : vector<16xi1>, vector<16xf32>
      %add3A_1077 = arith.addf %add3A_1071, %select_n3A_1076 : vector<16xf32>
      %scan3A_1078 = arith.constant 3 : i32
      %scan3A_1079 = arith.addi %scan3A_1006, %scan3A_1078 : i32
      %mul3A_1080 = arith.constant 16 : i32
      %mul3A_1081 = arith.muli %scan3A_1079, %mul3A_1080 : i32
      %get3A_1082 = arith.index_cast %mul3A_1081 : i32 to index
      %get3A_1083 = tpu.vector_load %arg6[%get3A_1082] {strides = array<i32>} : memref<100000xf32, #tpu.memory_space<vmem>>, vector<16xf32>,
      %get3A_1084 = vector.shape_cast %get3A_1083 : vector<16xf32> to vector<16xf32>
      %lt3A_1085 = arith.cmpi slt, %scan3A_1079, %select_n3A_504 : i32
      %jit3A_1086 = arith.constant 1.000000e+00 : f32
      %jit3A_1087 = arith.constant 0.000000e+00 : f32
      %select_n3A_1088 = arith.select %lt3A_1085, %jit3A_1086, %jit3A_1087 : f32
      %gt3A_1089 = arith.cmpf ogt, %get3A_1084, %broadcast_in_dim3A_594 : vector<16xf32>
      %jit3A_1090 = arith.constant 1.000000e+00 : f32
      %jit3A_1091 = arith.constant 0.000000e+00 : f32
      %broadcast_in_dim3A_1092 = vector.broadcast %jit3A_1090 : f32 to vector<16xf32>
      %broadcast_in_dim3A_1093 = vector.broadcast %jit3A_1091 : f32 to vector<16xf32>
      %select_n3A_1094 = arith.select %gt3A_1089, %broadcast_in_dim3A_1092, %broadcast_in_dim3A_1093 : vector<16xi1>, vector<16xf32>
      %add3A_1095 = arith.addf %add3A_1077, %select_n3A_1094 : vector<16xf32>
      %eq3A_1096 = arith.cmpf oeq, %get3A_1084, %broadcast_in_dim3A_594 : vector<16xf32>
      %jit3A_1097 = arith.constant 0.000000e+00 : f32
      %broadcast_in_dim3A_1098 = vector.broadcast %select_n3A_1088 : f32 to vector<16xf32>
      %broadcast_in_dim3A_1099 = vector.broadcast %jit3A_1097 : f32 to vector<16xf32>
      %select_n3A_1100 = arith.select %eq3A_1096, %broadcast_in_dim3A_1098, %broadcast_in_dim3A_1099 : vector<16xi1>, vector<16xf32>
      %add3A_1101 = arith.addf %add3A_1095, %select_n3A_1100 : vector<16xf32>
      %scan3A_1102 = arith.constant 4 : i32
      %scan3A_1103 = arith.addi %scan3A_1006, %scan3A_1102 : i32
      %mul3A_1104 = arith.constant 16 : i32
      %mul3A_1105 = arith.muli %scan3A_1103, %mul3A_1104 : i32
      %get3A_1106 = arith.index_cast %mul3A_1105 : i32 to index
      %get3A_1107 = tpu.vector_load %arg6[%get3A_1106] {strides = array<i32>} : memref<100000xf32, #tpu.memory_space<vmem>>, vector<16xf32>,
      %get3A_1108 = vector.shape_cast %get3A_1107 : vector<16xf32> to vector<16xf32>
      %lt3A_1109 = arith.cmpi slt, %scan3A_1103, %select_n3A_504 : i32
      %jit3A_1110 = arith.constant 1.000000e+00 : f32
      %jit3A_1111 = arith.constant 0.000000e+00 : f32
      %select_n3A_1112 = arith.select %lt3A_1109, %jit3A_1110, %jit3A_1111 : f32
      %gt3A_1113 = arith.cmpf ogt, %get3A_1108, %broadcast_in_dim3A_594 : vector<16xf32>
      %jit3A_1114 = arith.constant 1.000000e+00 : f32
      %jit3A_1115 = arith.constant 0.000000e+00 : f32
      %broadcast_in_dim3A_1116 = vector.broadcast %jit3A_1114 : f32 to vector<16xf32>
      %broadcast_in_dim3A_1117 = vector.broadcast %jit3A_1115 : f32 to vector<16xf32>
      %select_n3A_1118 = arith.select %gt3A_1113, %broadcast_in_dim3A_1116, %broadcast_in_dim3A_1117 : vector<16xi1>, vector<16xf32>
      %add3A_1119 = arith.addf %add3A_1101, %select_n3A_1118 : vector<16xf32>
      %eq3A_1120 = arith.cmpf oeq, %get3A_1108, %broadcast_in_dim3A_594 : vector<16xf32>
      %jit3A_1121 = arith.constant 0.000000e+00 : f32
      %broadcast_in_dim3A_1122 = vector.broadcast %select_n3A_1112 : f32 to vector<16xf32>
      %broadcast_in_dim3A_1123 = vector.broadcast %jit3A_1121 : f32 to vector<16xf32>
      %select_n3A_1124 = arith.select %eq3A_1120, %broadcast_in_dim3A_1122, %broadcast_in_dim3A_1123 : vector<16xi1>, vector<16xf32>
      %add3A_1125 = arith.addf %add3A_1119, %select_n3A_1124 : vector<16xf32>
      %scan3A_1126 = arith.constant 5 : i32
      %scan3A_1127 = arith.addi %scan3A_1006, %scan3A_1126 : i32
      %mul3A_1128 = arith.constant 16 : i32
      %mul3A_1129 = arith.muli %scan3A_1127, %mul3A_1128 : i32
      %get3A_1130 = arith.index_cast %mul3A_1129 : i32 to index
      %get3A_1131 = tpu.vector_load %arg6[%get3A_1130] {strides = array<i32>} : memref<100000xf32, #tpu.memory_space<vmem>>, vector<16xf32>,
      %get3A_1132 = vector.shape_cast %get3A_1131 : vector<16xf32> to vector<16xf32>
      %lt3A_1133 = arith.cmpi slt, %scan3A_1127, %select_n3A_504 : i32
      %jit3A_1134 = arith.constant 1.000000e+00 : f32
      %jit3A_1135 = arith.constant 0.000000e+00 : f32
      %select_n3A_1136 = arith.select %lt3A_1133, %jit3A_1134, %jit3A_1135 : f32
      %gt3A_1137 = arith.cmpf ogt, %get3A_1132, %broadcast_in_dim3A_594 : vector<16xf32>
      %jit3A_1138 = arith.constant 1.000000e+00 : f32
      %jit3A_1139 = arith.constant 0.000000e+00 : f32
      %broadcast_in_dim3A_1140 = vector.broadcast %jit3A_1138 : f32 to vector<16xf32>
      %broadcast_in_dim3A_1141 = vector.broadcast %jit3A_1139 : f32 to vector<16xf32>
      %select_n3A_1142 = arith.select %gt3A_1137, %broadcast_in_dim3A_1140, %broadcast_in_dim3A_1141 : vector<16xi1>, vector<16xf32>
      %add3A_1143 = arith.addf %add3A_1125, %select_n3A_1142 : vector<16xf32>
      %eq3A_1144 = arith.cmpf oeq, %get3A_1132, %broadcast_in_dim3A_594 : vector<16xf32>
      %jit3A_1145 = arith.constant 0.000000e+00 : f32
      %broadcast_in_dim3A_1146 = vector.broadcast %select_n3A_1136 : f32 to vector<16xf32>
      %broadcast_in_dim3A_1147 = vector.broadcast %jit3A_1145 : f32 to vector<16xf32>
      %select_n3A_1148 = arith.select %eq3A_1144, %broadcast_in_dim3A_1146, %broadcast_in_dim3A_1147 : vector<16xi1>, vector<16xf32>
      %add3A_1149 = arith.addf %add3A_1143, %select_n3A_1148 : vector<16xf32>
      %scan3A_1150 = arith.constant 6 : i32
      %scan3A_1151 = arith.addi %scan3A_1006, %scan3A_1150 : i32
      %mul3A_1152 = arith.constant 16 : i32
      %mul3A_1153 = arith.muli %scan3A_1151, %mul3A_1152 : i32
      %get3A_1154 = arith.index_cast %mul3A_1153 : i32 to index
      %get3A_1155 = tpu.vector_load %arg6[%get3A_1154] {strides = array<i32>} : memref<100000xf32, #tpu.memory_space<vmem>>, vector<16xf32>,
      %get3A_1156 = vector.shape_cast %get3A_1155 : vector<16xf32> to vector<16xf32>
      %lt3A_1157 = arith.cmpi slt, %scan3A_1151, %select_n3A_504 : i32
      %jit3A_1158 = arith.constant 1.000000e+00 : f32
      %jit3A_1159 = arith.constant 0.000000e+00 : f32
      %select_n3A_1160 = arith.select %lt3A_1157, %jit3A_1158, %jit3A_1159 : f32
      %gt3A_1161 = arith.cmpf ogt, %get3A_1156, %broadcast_in_dim3A_594 : vector<16xf32>
      %jit3A_1162 = arith.constant 1.000000e+00 : f32
      %jit3A_1163 = arith.constant 0.000000e+00 : f32
      %broadcast_in_dim3A_1164 = vector.broadcast %jit3A_1162 : f32 to vector<16xf32>
      %broadcast_in_dim3A_1165 = vector.broadcast %jit3A_1163 : f32 to vector<16xf32>
      %select_n3A_1166 = arith.select %gt3A_1161, %broadcast_in_dim3A_1164, %broadcast_in_dim3A_1165 : vector<16xi1>, vector<16xf32>
      %add3A_1167 = arith.addf %add3A_1149, %select_n3A_1166 : vector<16xf32>
      %eq3A_1168 = arith.cmpf oeq, %get3A_1156, %broadcast_in_dim3A_594 : vector<16xf32>
      %jit3A_1169 = arith.constant 0.000000e+00 : f32
      %broadcast_in_dim3A_1170 = vector.broadcast %select_n3A_1160 : f32 to vector<16xf32>
      %broadcast_in_dim3A_1171 = vector.broadcast %jit3A_1169 : f32 to vector<16xf32>
      %select_n3A_1172 = arith.select %eq3A_1168, %broadcast_in_dim3A_1170, %broadcast_in_dim3A_1171 : vector<16xi1>, vector<16xf32>
      %add3A_1173 = arith.addf %add3A_1167, %select_n3A_1172 : vector<16xf32>
      %scan3A_1174 = arith.constant 7 : i32
      %scan3A_1175 = arith.addi %scan3A_1006, %scan3A_1174 : i32
      %mul3A_1176 = arith.constant 16 : i32
      %mul3A_1177 = arith.muli %scan3A_1175, %mul3A_1176 : i32
      %get3A_1178 = arith.index_cast %mul3A_1177 : i32 to index
      %get3A_1179 = tpu.vector_load %arg6[%get3A_1178] {strides = array<i32>} : memref<100000xf32, #tpu.memory_space<vmem>>, vector<16xf32>,
      %get3A_1180 = vector.shape_cast %get3A_1179 : vector<16xf32> to vector<16xf32>
      %lt3A_1181 = arith.cmpi slt, %scan3A_1175, %select_n3A_504 : i32
      %jit3A_1182 = arith.constant 1.000000e+00 : f32
      %jit3A_1183 = arith.constant 0.000000e+00 : f32
      %select_n3A_1184 = arith.select %lt3A_1181, %jit3A_1182, %jit3A_1183 : f32
      %gt3A_1185 = arith.cmpf ogt, %get3A_1180, %broadcast_in_dim3A_594 : vector<16xf32>
      %jit3A_1186 = arith.constant 1.000000e+00 : f32
      %jit3A_1187 = arith.constant 0.000000e+00 : f32
      %broadcast_in_dim3A_1188 = vector.broadcast %jit3A_1186 : f32 to vector<16xf32>
      %broadcast_in_dim3A_1189 = vector.broadcast %jit3A_1187 : f32 to vector<16xf32>
      %select_n3A_1190 = arith.select %gt3A_1185, %broadcast_in_dim3A_1188, %broadcast_in_dim3A_1189 : vector<16xi1>, vector<16xf32>
      %add3A_1191 = arith.addf %add3A_1173, %select_n3A_1190 : vector<16xf32>
      %eq3A_1192 = arith.cmpf oeq, %get3A_1180, %broadcast_in_dim3A_594 : vector<16xf32>
      %jit3A_1193 = arith.constant 0.000000e+00 : f32
      %broadcast_in_dim3A_1194 = vector.broadcast %select_n3A_1184 : f32 to vector<16xf32>
      %broadcast_in_dim3A_1195 = vector.broadcast %jit3A_1193 : f32 to vector<16xf32>
      %select_n3A_1196 = arith.select %eq3A_1192, %broadcast_in_dim3A_1194, %broadcast_in_dim3A_1195 : vector<16xi1>, vector<16xf32>
      %add3A_1197 = arith.addf %add3A_1191, %select_n3A_1196 : vector<16xf32>
      scf.yield %add3A_1197 : vector<16xf32>
    }
    %scan3A_618 = arith.constant 6248 : i32
    %scan3A_619 = arith.addi %scan3A_613, %scan3A_618 : i32
    %mul3A_620 = arith.constant 16 : i32
    %mul3A_621 = arith.muli %scan3A_619, %mul3A_620 : i32
    %get3A_622 = arith.index_cast %mul3A_621 : i32 to index
    %get3A_623 = tpu.vector_load %arg6[%get3A_622] {strides = array<i32>} : memref<100000xf32, #tpu.memory_space<vmem>>, vector<16xf32>,
    %get3A_624 = vector.shape_cast %get3A_623 : vector<16xf32> to vector<16xf32>
    %lt3A_625 = arith.cmpi slt, %scan3A_619, %select_n3A_504 : i32
    %jit3A_626 = arith.constant 1.000000e+00 : f32
    %jit3A_627 = arith.constant 0.000000e+00 : f32
    %select_n3A_628 = arith.select %lt3A_625, %jit3A_626, %jit3A_627 : f32
    %gt3A_629 = arith.cmpf ogt, %get3A_624, %broadcast_in_dim3A_594 : vector<16xf32>
    %jit3A_630 = arith.constant 1.000000e+00 : f32
    %jit3A_631 = arith.constant 0.000000e+00 : f32
    %broadcast_in_dim3A_632 = vector.broadcast %jit3A_630 : f32 to vector<16xf32>
    %broadcast_in_dim3A_633 = vector.broadcast %jit3A_631 : f32 to vector<16xf32>
    %select_n3A_634 = arith.select %gt3A_629, %broadcast_in_dim3A_632, %broadcast_in_dim3A_633 : vector<16xi1>, vector<16xf32>
    %add3A_635 = arith.addf %scan3A_617, %select_n3A_634 : vector<16xf32>
    %eq3A_636 = arith.cmpf oeq, %get3A_624, %broadcast_in_dim3A_594 : vector<16xf32>
    %jit3A_637 = arith.constant 0.000000e+00 : f32
    %broadcast_in_dim3A_638 = vector.broadcast %select_n3A_628 : f32 to vector<16xf32>
    %broadcast_in_dim3A_639 = vector.broadcast %jit3A_637 : f32 to vector<16xf32>
    %select_n3A_640 = arith.select %eq3A_636, %broadcast_in_dim3A_638, %broadcast_in_dim3A_639 : vector<16xi1>, vector<16xf32>
    %add3A_641 = arith.addf %add3A_635, %select_n3A_640 : vector<16xf32>
    %scan3A_642 = arith.constant 6249 : i32
    %scan3A_643 = arith.addi %scan3A_613, %scan3A_642 : i32
    %mul3A_644 = arith.constant 16 : i32
    %mul3A_645 = arith.muli %scan3A_643, %mul3A_644 : i32
    %get3A_646 = arith.index_cast %mul3A_645 : i32 to index
    %get3A_647 = tpu.vector_load %arg6[%get3A_646] {strides = array<i32>} : memref<100000xf32, #tpu.memory_space<vmem>>, vector<16xf32>,
    %get3A_648 = vector.shape_cast %get3A_647 : vector<16xf32> to vector<16xf32>
    %lt3A_649 = arith.cmpi slt, %scan3A_643, %select_n3A_504 : i32
    %jit3A_650 = arith.constant 1.000000e+00 : f32
    %jit3A_651 = arith.constant 0.000000e+00 : f32
    %select_n3A_652 = arith.select %lt3A_649, %jit3A_650, %jit3A_651 : f32
    %gt3A_653 = arith.cmpf ogt, %get3A_648, %broadcast_in_dim3A_594 : vector<16xf32>
    %jit3A_654 = arith.constant 1.000000e+00 : f32
    %jit3A_655 = arith.constant 0.000000e+00 : f32
    %broadcast_in_dim3A_656 = vector.broadcast %jit3A_654 : f32 to vector<16xf32>
    %broadcast_in_dim3A_657 = vector.broadcast %jit3A_655 : f32 to vector<16xf32>
    %select_n3A_658 = arith.select %gt3A_653, %broadcast_in_dim3A_656, %broadcast_in_dim3A_657 : vector<16xi1>, vector<16xf32>
    %add3A_659 = arith.addf %add3A_641, %select_n3A_658 : vector<16xf32>
    %eq3A_660 = arith.cmpf oeq, %get3A_648, %broadcast_in_dim3A_594 : vector<16xf32>
    %jit3A_661 = arith.constant 0.000000e+00 : f32
    %broadcast_in_dim3A_662 = vector.broadcast %select_n3A_652 : f32 to vector<16xf32>
    %broadcast_in_dim3A_663 = vector.broadcast %jit3A_661 : f32 to vector<16xf32>
    %select_n3A_664 = arith.select %eq3A_660, %broadcast_in_dim3A_662, %broadcast_in_dim3A_663 : vector<16xi1>, vector<16xf32>
    %add3A_665 = arith.addf %add3A_659, %select_n3A_664 : vector<16xf32>
    %scan3A_666 = arith.constant 6250 : i32
    %swap3A_667 = arith.constant 0 : index
    %swap3A_668 = tpu.vector_load %arg7[%swap3A_667] {strides = array<i32>} : memref<16xf32, #tpu.memory_space<vmem>>, vector<16xf32>,
    %swap3A_669 = vector.shape_cast %swap3A_668 : vector<16xf32> to vector<16xf32>
    %swap3A_670 = vector.shape_cast %add3A_665 : vector<16xf32> to vector<16xf32>
    tpu.vector_store %arg7[%swap3A_667], %swap3A_670 {strides = array<i32>} : memref<16xf32, #tpu.memory_space<vmem>>, vector<16xf32>,
    %sub3A_671 = arith.constant 928 : i32
    %sub3A_672 = arith.subi %add3A_4, %sub3A_671 : i32
    %add3A_673 = arith.constant 1 : i32
    %add3A_674 = arith.addi %sub3A_672, %add3A_673 : i32
    "tpu.region"() ({
      %run_scoped3A = tpu.sem_alloc : memref<!tpu.dma_semaphore, #tpu.memory_space<semaphore_mem>>
      %dma_start3A = arith.constant 0 : i32
      %dma_start3A_1006 = tpu.memref_slice %arg4[%add3A_674, %dma_start3A] : memref<96x16xf32, #tpu.memory_space<hbm>> -> memref<1x16xf32, #tpu.memory_space<hbm>>
      %dma_start3A_1007 = tpu.memref_squeeze %dma_start3A_1006 : memref<1x16xf32, #tpu.memory_space<hbm>> -> memref<16xf32, #tpu.memory_space<hbm>>
      %dma_start3A_1008 = arith.constant 0 : i32
      %dma_start3A_1009 = tpu.memref_slice %arg4[%add3A_674, %dma_start3A_1008] : memref<96x16xf32, #tpu.memory_space<hbm>> -> memref<1x16xf32, #tpu.memory_space<hbm>>
      %dma_start3A_1010 = tpu.memref_squeeze %dma_start3A_1009 : memref<1x16xf32, #tpu.memory_space<hbm>> -> memref<16xf32, #tpu.memory_space<hbm>>
      tpu.enqueue_dma source(%arg7 : memref<16xf32, #tpu.memory_space<vmem>>) target(%dma_start3A_1010 : memref<16xf32, #tpu.memory_space<hbm>>) target_semaphore(%run_scoped3A : memref<!tpu.dma_semaphore, #tpu.memory_space<semaphore_mem>>)
      %dma_wait3A = arith.constant 0 : i32
      %dma_wait3A_1011 = tpu.memref_slice %arg4[%add3A_674, %dma_wait3A] : memref<96x16xf32, #tpu.memory_space<hbm>> -> memref<1x16xf32, #tpu.memory_space<hbm>>
      %dma_wait3A_1012 = tpu.memref_squeeze %dma_wait3A_1011 : memref<1x16xf32, #tpu.memory_space<hbm>> -> memref<16xf32, #tpu.memory_space<hbm>>
      %dma_wait3A_1013 = arith.constant 0 : i32
      %dma_wait3A_1014 = tpu.memref_slice %arg4[%add3A_674, %dma_wait3A_1013] : memref<96x16xf32, #tpu.memory_space<hbm>> -> memref<1x16xf32, #tpu.memory_space<hbm>>
      %dma_wait3A_1015 = tpu.memref_squeeze %dma_wait3A_1014 : memref<1x16xf32, #tpu.memory_space<hbm>> -> memref<16xf32, #tpu.memory_space<hbm>>
      tpu.wait_dma2 semaphore(%run_scoped3A : memref<!tpu.dma_semaphore, #tpu.memory_space<semaphore_mem>>) src(%arg7 : memref<16xf32, #tpu.memory_space<vmem>>) dst(%dma_wait3A_1015 : memref<16xf32, #tpu.memory_space<hbm>>)
      tpu.yield
    }) : () -> ()
    %add3A_675 = arith.constant 2 : i32
    %add3A_676 = arith.addi %sub3A_23, %add3A_675 : i32
    %eq3A_677 = arith.constant 0 : i32
    %eq3A_678 = arith.cmpi eq, %add3A_676, %eq3A_677 : i32
    %get3A_679 = arith.constant 0 : index
    %get3A_680 = tpu.vector_load %arg5[%get3A_679] {strides = array<i32>} : memref<16xi32, #tpu.memory_space<vmem>>, vector<16xi32>,
    %get3A_681 = vector.shape_cast %get3A_680 : vector<16xi32> to vector<16xi32>
    %slice3A_682 = vector.extract_strided_slice %get3A_681 {offsets = [0], sizes = [1], strides = [1]} : vector<16xi32> to vector<1xi32>
    %squeeze3A_683 = vector.extract %slice3A_682[0] : i32 from vector<1xi32>
    %jit3A_684 = arith.constant 0 : i32
    %select_n3A_685 = arith.select %eq3A_678, %squeeze3A_683, %jit3A_684 : i32
    %eq3A_686 = arith.constant 1 : i32
    %eq3A_687 = arith.cmpi eq, %add3A_676, %eq3A_686 : i32
    %get3A_688 = arith.constant 0 : index
    %get3A_689 = tpu.vector_load %arg5[%get3A_688] {strides = array<i32>} : memref<16xi32, #tpu.memory_space<vmem>>, vector<16xi32>,
    %get3A_690 = vector.shape_cast %get3A_689 : vector<16xi32> to vector<16xi32>
    %slice3A_691 = vector.extract_strided_slice %get3A_690 {offsets = [1], sizes = [1], strides = [1]} : vector<16xi32> to vector<1xi32>
    %squeeze3A_692 = vector.extract %slice3A_691[0] : i32 from vector<1xi32>
    %select_n3A_693 = arith.select %eq3A_687, %squeeze3A_692, %select_n3A_685 : i32
    %eq3A_694 = arith.constant 2 : i32
    %eq3A_695 = arith.cmpi eq, %add3A_676, %eq3A_694 : i32
    %get3A_696 = arith.constant 0 : index
    %get3A_697 = tpu.vector_load %arg5[%get3A_696] {strides = array<i32>} : memref<16xi32, #tpu.memory_space<vmem>>, vector<16xi32>,
    %get3A_698 = vector.shape_cast %get3A_697 : vector<16xi32> to vector<16xi32>
    %slice3A_699 = vector.extract_strided_slice %get3A_698 {offsets = [2], sizes = [1], strides = [1]} : vector<16xi32> to vector<1xi32>
    %squeeze3A_700 = vector.extract %slice3A_699[0] : i32 from vector<1xi32>
    %select_n3A_701 = arith.select %eq3A_695, %squeeze3A_700, %select_n3A_693 : i32
    %eq3A_702 = arith.constant 3 : i32
    %eq3A_703 = arith.cmpi eq, %add3A_676, %eq3A_702 : i32
    %get3A_704 = arith.constant 0 : index
    %get3A_705 = tpu.vector_load %arg5[%get3A_704] {strides = array<i32>} : memref<16xi32, #tpu.memory_space<vmem>>, vector<16xi32>,
    %get3A_706 = vector.shape_cast %get3A_705 : vector<16xi32> to vector<16xi32>
    %slice3A_707 = vector.extract_strided_slice %get3A_706 {offsets = [3], sizes = [1], strides = [1]} : vector<16xi32> to vector<1xi32>
    %squeeze3A_708 = vector.extract %slice3A_707[0] : i32 from vector<1xi32>
    %select_n3A_709 = arith.select %eq3A_703, %squeeze3A_708, %select_n3A_701 : i32
    %eq3A_710 = arith.constant 4 : i32
    %eq3A_711 = arith.cmpi eq, %add3A_676, %eq3A_710 : i32
    %get3A_712 = arith.constant 0 : index
    %get3A_713 = tpu.vector_load %arg5[%get3A_712] {strides = array<i32>} : memref<16xi32, #tpu.memory_space<vmem>>, vector<16xi32>,
    %get3A_714 = vector.shape_cast %get3A_713 : vector<16xi32> to vector<16xi32>
    %slice3A_715 = vector.extract_strided_slice %get3A_714 {offsets = [4], sizes = [1], strides = [1]} : vector<16xi32> to vector<1xi32>
    %squeeze3A_716 = vector.extract %slice3A_715[0] : i32 from vector<1xi32>
    %select_n3A_717 = arith.select %eq3A_711, %squeeze3A_716, %select_n3A_709 : i32
    %eq3A_718 = arith.constant 5 : i32
    %eq3A_719 = arith.cmpi eq, %add3A_676, %eq3A_718 : i32
    %get3A_720 = arith.constant 0 : index
    %get3A_721 = tpu.vector_load %arg5[%get3A_720] {strides = array<i32>} : memref<16xi32, #tpu.memory_space<vmem>>, vector<16xi32>,
    %get3A_722 = vector.shape_cast %get3A_721 : vector<16xi32> to vector<16xi32>
    %slice3A_723 = vector.extract_strided_slice %get3A_722 {offsets = [5], sizes = [1], strides = [1]} : vector<16xi32> to vector<1xi32>
    %squeeze3A_724 = vector.extract %slice3A_723[0] : i32 from vector<1xi32>
    %select_n3A_725 = arith.select %eq3A_719, %squeeze3A_724, %select_n3A_717 : i32
    %eq3A_726 = arith.constant 6 : i32
    %eq3A_727 = arith.cmpi eq, %add3A_676, %eq3A_726 : i32
    %get3A_728 = arith.constant 0 : index
    %get3A_729 = tpu.vector_load %arg5[%get3A_728] {strides = array<i32>} : memref<16xi32, #tpu.memory_space<vmem>>, vector<16xi32>,
    %get3A_730 = vector.shape_cast %get3A_729 : vector<16xi32> to vector<16xi32>
    %slice3A_731 = vector.extract_strided_slice %get3A_730 {offsets = [6], sizes = [1], strides = [1]} : vector<16xi32> to vector<1xi32>
    %squeeze3A_732 = vector.extract %slice3A_731[0] : i32 from vector<1xi32>
    %select_n3A_733 = arith.select %eq3A_727, %squeeze3A_732, %select_n3A_725 : i32
    %eq3A_734 = arith.constant 7 : i32
    %eq3A_735 = arith.cmpi eq, %add3A_676, %eq3A_734 : i32
    %get3A_736 = arith.constant 0 : index
    %get3A_737 = tpu.vector_load %arg5[%get3A_736] {strides = array<i32>} : memref<16xi32, #tpu.memory_space<vmem>>, vector<16xi32>,
    %get3A_738 = vector.shape_cast %get3A_737 : vector<16xi32> to vector<16xi32>
    %slice3A_739 = vector.extract_strided_slice %get3A_738 {offsets = [7], sizes = [1], strides = [1]} : vector<16xi32> to vector<1xi32>
    %squeeze3A_740 = vector.extract %slice3A_739[0] : i32 from vector<1xi32>
    %select_n3A_741 = arith.select %eq3A_735, %squeeze3A_740, %select_n3A_733 : i32
    %eq3A_742 = arith.constant 8 : i32
    %eq3A_743 = arith.cmpi eq, %add3A_676, %eq3A_742 : i32
    %get3A_744 = arith.constant 0 : index
    %get3A_745 = tpu.vector_load %arg5[%get3A_744] {strides = array<i32>} : memref<16xi32, #tpu.memory_space<vmem>>, vector<16xi32>,
    %get3A_746 = vector.shape_cast %get3A_745 : vector<16xi32> to vector<16xi32>
    %slice3A_747 = vector.extract_strided_slice %get3A_746 {offsets = [8], sizes = [1], strides = [1]} : vector<16xi32> to vector<1xi32>
    %squeeze3A_748 = vector.extract %slice3A_747[0] : i32 from vector<1xi32>
    %select_n3A_749 = arith.select %eq3A_743, %squeeze3A_748, %select_n3A_741 : i32
    %eq3A_750 = arith.constant 9 : i32
    %eq3A_751 = arith.cmpi eq, %add3A_676, %eq3A_750 : i32
    %get3A_752 = arith.constant 0 : index
    %get3A_753 = tpu.vector_load %arg5[%get3A_752] {strides = array<i32>} : memref<16xi32, #tpu.memory_space<vmem>>, vector<16xi32>,
    %get3A_754 = vector.shape_cast %get3A_753 : vector<16xi32> to vector<16xi32>
    %slice3A_755 = vector.extract_strided_slice %get3A_754 {offsets = [9], sizes = [1], strides = [1]} : vector<16xi32> to vector<1xi32>
    %squeeze3A_756 = vector.extract %slice3A_755[0] : i32 from vector<1xi32>
    %select_n3A_757 = arith.select %eq3A_751, %squeeze3A_756, %select_n3A_749 : i32
    %eq3A_758 = arith.constant 10 : i32
    %eq3A_759 = arith.cmpi eq, %add3A_676, %eq3A_758 : i32
    %get3A_760 = arith.constant 0 : index
    %get3A_761 = tpu.vector_load %arg5[%get3A_760] {strides = array<i32>} : memref<16xi32, #tpu.memory_space<vmem>>, vector<16xi32>,
    %get3A_762 = vector.shape_cast %get3A_761 : vector<16xi32> to vector<16xi32>
    %slice3A_763 = vector.extract_strided_slice %get3A_762 {offsets = [10], sizes = [1], strides = [1]} : vector<16xi32> to vector<1xi32>
    %squeeze3A_764 = vector.extract %slice3A_763[0] : i32 from vector<1xi32>
    %select_n3A_765 = arith.select %eq3A_759, %squeeze3A_764, %select_n3A_757 : i32
    %eq3A_766 = arith.constant 11 : i32
    %eq3A_767 = arith.cmpi eq, %add3A_676, %eq3A_766 : i32
    %get3A_768 = arith.constant 0 : index
    %get3A_769 = tpu.vector_load %arg5[%get3A_768] {strides = array<i32>} : memref<16xi32, #tpu.memory_space<vmem>>, vector<16xi32>,
    %get3A_770 = vector.shape_cast %get3A_769 : vector<16xi32> to vector<16xi32>
    %slice3A_771 = vector.extract_strided_slice %get3A_770 {offsets = [11], sizes = [1], strides = [1]} : vector<16xi32> to vector<1xi32>
    %squeeze3A_772 = vector.extract %slice3A_771[0] : i32 from vector<1xi32>
    %select_n3A_773 = arith.select %eq3A_767, %squeeze3A_772, %select_n3A_765 : i32
    %eq3A_774 = arith.constant 12 : i32
    %eq3A_775 = arith.cmpi eq, %add3A_676, %eq3A_774 : i32
    %get3A_776 = arith.constant 0 : index
    %get3A_777 = tpu.vector_load %arg5[%get3A_776] {strides = array<i32>} : memref<16xi32, #tpu.memory_space<vmem>>, vector<16xi32>,
    %get3A_778 = vector.shape_cast %get3A_777 : vector<16xi32> to vector<16xi32>
    %slice3A_779 = vector.extract_strided_slice %get3A_778 {offsets = [12], sizes = [1], strides = [1]} : vector<16xi32> to vector<1xi32>
    %squeeze3A_780 = vector.extract %slice3A_779[0] : i32 from vector<1xi32>
    %select_n3A_781 = arith.select %eq3A_775, %squeeze3A_780, %select_n3A_773 : i32
    %eq3A_782 = arith.constant 13 : i32
    %eq3A_783 = arith.cmpi eq, %add3A_676, %eq3A_782 : i32
    %get3A_784 = arith.constant 0 : index
    %get3A_785 = tpu.vector_load %arg5[%get3A_784] {strides = array<i32>} : memref<16xi32, #tpu.memory_space<vmem>>, vector<16xi32>,
    %get3A_786 = vector.shape_cast %get3A_785 : vector<16xi32> to vector<16xi32>
    %slice3A_787 = vector.extract_strided_slice %get3A_786 {offsets = [13], sizes = [1], strides = [1]} : vector<16xi32> to vector<1xi32>
    %squeeze3A_788 = vector.extract %slice3A_787[0] : i32 from vector<1xi32>
    %select_n3A_789 = arith.select %eq3A_783, %squeeze3A_788, %select_n3A_781 : i32
    %eq3A_790 = arith.constant 14 : i32
    %eq3A_791 = arith.cmpi eq, %add3A_676, %eq3A_790 : i32
    %get3A_792 = arith.constant 0 : index
    %get3A_793 = tpu.vector_load %arg5[%get3A_792] {strides = array<i32>} : memref<16xi32, #tpu.memory_space<vmem>>, vector<16xi32>,
    %get3A_794 = vector.shape_cast %get3A_793 : vector<16xi32> to vector<16xi32>
    %slice3A_795 = vector.extract_strided_slice %get3A_794 {offsets = [14], sizes = [1], strides = [1]} : vector<16xi32> to vector<1xi32>
    %squeeze3A_796 = vector.extract %slice3A_795[0] : i32 from vector<1xi32>
    %select_n3A_797 = arith.select %eq3A_791, %squeeze3A_796, %select_n3A_789 : i32
    %eq3A_798 = arith.constant 15 : i32
    %eq3A_799 = arith.cmpi eq, %add3A_676, %eq3A_798 : i32
    %get3A_800 = arith.constant 0 : index
    %get3A_801 = tpu.vector_load %arg5[%get3A_800] {strides = array<i32>} : memref<16xi32, #tpu.memory_space<vmem>>, vector<16xi32>,
    %get3A_802 = vector.shape_cast %get3A_801 : vector<16xi32> to vector<16xi32>
    %slice3A_803 = vector.extract_strided_slice %get3A_802 {offsets = [15], sizes = [1], strides = [1]} : vector<16xi32> to vector<1xi32>
    %squeeze3A_804 = vector.extract %slice3A_803[0] : i32 from vector<1xi32>
    %select_n3A_805 = arith.select %eq3A_799, %squeeze3A_804, %select_n3A_797 : i32
    %jit3A_806 = arith.constant 0 : i32
    %jit3A_807 = arith.constant 99999 : i32
    %max3A_808 = arith.maxsi %jit3A_806, %select_n3A_805 : i32
    %min3A_809 = arith.minsi %jit3A_807, %max3A_808 : i32
    %add3A_810 = arith.constant 2 : i32
    %add3A_811 = arith.addi %add3A_4, %add3A_810 : i32
    "tpu.region"() ({
      %run_scoped3A = tpu.sem_alloc : memref<!tpu.dma_semaphore, #tpu.memory_space<semaphore_mem>>
      %dma_start3A = arith.constant 0 : i32
      %dma_start3A_1006 = tpu.memref_slice %arg3[%add3A_811, %dma_start3A] : memref<1024x100000xf32, #tpu.memory_space<hbm>> -> memref<1x100000xf32, #tpu.memory_space<hbm>>
      %dma_start3A_1007 = tpu.memref_squeeze %dma_start3A_1006 : memref<1x100000xf32, #tpu.memory_space<hbm>> -> memref<100000xf32, #tpu.memory_space<hbm>>
      %dma_start3A_1008 = arith.constant 0 : i32
      %dma_start3A_1009 = tpu.memref_slice %arg3[%add3A_811, %dma_start3A_1008] : memref<1024x100000xf32, #tpu.memory_space<hbm>> -> memref<1x100000xf32, #tpu.memory_space<hbm>>
      %dma_start3A_1010 = tpu.memref_squeeze %dma_start3A_1009 : memref<1x100000xf32, #tpu.memory_space<hbm>> -> memref<100000xf32, #tpu.memory_space<hbm>>
      tpu.enqueue_dma source(%dma_start3A_1010 : memref<100000xf32, #tpu.memory_space<hbm>>) target(%arg6 : memref<100000xf32, #tpu.memory_space<vmem>>) target_semaphore(%run_scoped3A : memref<!tpu.dma_semaphore, #tpu.memory_space<semaphore_mem>>)
      %dma_wait3A = arith.constant 0 : i32
      %dma_wait3A_1011 = tpu.memref_slice %arg3[%add3A_811, %dma_wait3A] : memref<1024x100000xf32, #tpu.memory_space<hbm>> -> memref<1x100000xf32, #tpu.memory_space<hbm>>
      %dma_wait3A_1012 = tpu.memref_squeeze %dma_wait3A_1011 : memref<1x100000xf32, #tpu.memory_space<hbm>> -> memref<100000xf32, #tpu.memory_space<hbm>>
      %dma_wait3A_1013 = arith.constant 0 : i32
      %dma_wait3A_1014 = tpu.memref_slice %arg3[%add3A_811, %dma_wait3A_1013] : memref<1024x100000xf32, #tpu.memory_space<hbm>> -> memref<1x100000xf32, #tpu.memory_space<hbm>>
      %dma_wait3A_1015 = tpu.memref_squeeze %dma_wait3A_1014 : memref<1x100000xf32, #tpu.memory_space<hbm>> -> memref<100000xf32, #tpu.memory_space<hbm>>
      tpu.wait_dma2 semaphore(%run_scoped3A : memref<!tpu.dma_semaphore, #tpu.memory_space<semaphore_mem>>) src(%dma_wait3A_1015 : memref<100000xf32, #tpu.memory_space<hbm>>) dst(%arg6 : memref<100000xf32, #tpu.memory_space<vmem>>)
      tpu.yield
    }) : () -> ()
    %jit3A_812 = arith.constant 16 : i32
    %div3A_813 = arith.divsi %min3A_809, %jit3A_812 : i32
    %sign3A_814 = arith.constant 0 : i32
    %sign3A_815 = arith.cmpi sgt, %min3A_809, %sign3A_814 : i32
    %sign3A_816 = arith.extui %sign3A_815 : i1 to i32
    %sign3A_817 = arith.constant 0 : i32
    %sign3A_818 = arith.cmpi slt, %min3A_809, %sign3A_817 : i32
    %sign3A_819 = arith.extui %sign3A_818 : i1 to i32
    %sign3A_820 = arith.subi %sign3A_816, %sign3A_819 : i32
    %sign3A_821 = arith.constant 0 : i32
    %sign3A_822 = arith.cmpi sgt, %jit3A_812, %sign3A_821 : i32
    %sign3A_823 = arith.extui %sign3A_822 : i1 to i32
    %sign3A_824 = arith.constant 0 : i32
    %sign3A_825 = arith.cmpi slt, %jit3A_812, %sign3A_824 : i32
    %sign3A_826 = arith.extui %sign3A_825 : i1 to i32
    %sign3A_827 = arith.subi %sign3A_823, %sign3A_826 : i32
    %ne3A_828 = arith.cmpi ne, %sign3A_820, %sign3A_827 : i32
    %rem3A_829 = arith.remsi %min3A_809, %jit3A_812 : i32
    %ne3A_830 = arith.constant 0 : i32
    %ne3A_831 = arith.cmpi ne, %rem3A_829, %ne3A_830 : i32
    %and3A_832 = arith.andi %ne3A_828, %ne3A_831 : i1
    %sub3A_833 = arith.constant 1 : i32
    %sub3A_834 = arith.subi %div3A_813, %sub3A_833 : i32
    %select_n3A_835 = arith.select %and3A_832, %sub3A_834, %div3A_813 : i32
    %mul3A_836 = arith.constant 16 : i32
    %mul3A_837 = arith.muli %select_n3A_835, %mul3A_836 : i32
    %sub3A_838 = arith.subi %min3A_809, %mul3A_837 : i32
    %mul3A_839 = arith.constant 16 : i32
    %mul3A_840 = arith.muli %select_n3A_835, %mul3A_839 : i32
    %get3A_841 = arith.index_cast %mul3A_840 : i32 to index
    %get3A_842 = tpu.vector_load %arg6[%get3A_841] {strides = array<i32>} : memref<100000xf32, #tpu.memory_space<vmem>>, vector<16xf32>,
    %get3A_843 = vector.shape_cast %get3A_842 : vector<16xf32> to vector<16xf32>
    %eq3A_844 = arith.constant 0 : i32
    %eq3A_845 = arith.cmpi eq, %sub3A_838, %eq3A_844 : i32
    %slice3A_846 = vector.extract_strided_slice %get3A_843 {offsets = [0], sizes = [1], strides = [1]} : vector<16xf32> to vector<1xf32>
    %squeeze3A_847 = vector.extract %slice3A_846[0] : f32 from vector<1xf32>
    %jit3A_848 = arith.constant 0.000000e+00 : f32
    %select_n3A_849 = arith.select %eq3A_845, %squeeze3A_847, %jit3A_848 : f32
    %eq3A_850 = arith.constant 1 : i32
    %eq3A_851 = arith.cmpi eq, %sub3A_838, %eq3A_850 : i32
    %slice3A_852 = vector.extract_strided_slice %get3A_843 {offsets = [1], sizes = [1], strides = [1]} : vector<16xf32> to vector<1xf32>
    %squeeze3A_853 = vector.extract %slice3A_852[0] : f32 from vector<1xf32>
    %select_n3A_854 = arith.select %eq3A_851, %squeeze3A_853, %select_n3A_849 : f32
    %eq3A_855 = arith.constant 2 : i32
    %eq3A_856 = arith.cmpi eq, %sub3A_838, %eq3A_855 : i32
    %slice3A_857 = vector.extract_strided_slice %get3A_843 {offsets = [2], sizes = [1], strides = [1]} : vector<16xf32> to vector<1xf32>
    %squeeze3A_858 = vector.extract %slice3A_857[0] : f32 from vector<1xf32>
    %select_n3A_859 = arith.select %eq3A_856, %squeeze3A_858, %select_n3A_854 : f32
    %eq3A_860 = arith.constant 3 : i32
    %eq3A_861 = arith.cmpi eq, %sub3A_838, %eq3A_860 : i32
    %slice3A_862 = vector.extract_strided_slice %get3A_843 {offsets = [3], sizes = [1], strides = [1]} : vector<16xf32> to vector<1xf32>
    %squeeze3A_863 = vector.extract %slice3A_862[0] : f32 from vector<1xf32>
    %select_n3A_864 = arith.select %eq3A_861, %squeeze3A_863, %select_n3A_859 : f32
    %eq3A_865 = arith.constant 4 : i32
    %eq3A_866 = arith.cmpi eq, %sub3A_838, %eq3A_865 : i32
    %slice3A_867 = vector.extract_strided_slice %get3A_843 {offsets = [4], sizes = [1], strides = [1]} : vector<16xf32> to vector<1xf32>
    %squeeze3A_868 = vector.extract %slice3A_867[0] : f32 from vector<1xf32>
    %select_n3A_869 = arith.select %eq3A_866, %squeeze3A_868, %select_n3A_864 : f32
    %eq3A_870 = arith.constant 5 : i32
    %eq3A_871 = arith.cmpi eq, %sub3A_838, %eq3A_870 : i32
    %slice3A_872 = vector.extract_strided_slice %get3A_843 {offsets = [5], sizes = [1], strides = [1]} : vector<16xf32> to vector<1xf32>
    %squeeze3A_873 = vector.extract %slice3A_872[0] : f32 from vector<1xf32>
    %select_n3A_874 = arith.select %eq3A_871, %squeeze3A_873, %select_n3A_869 : f32
    %eq3A_875 = arith.constant 6 : i32
    %eq3A_876 = arith.cmpi eq, %sub3A_838, %eq3A_875 : i32
    %slice3A_877 = vector.extract_strided_slice %get3A_843 {offsets = [6], sizes = [1], strides = [1]} : vector<16xf32> to vector<1xf32>
    %squeeze3A_878 = vector.extract %slice3A_877[0] : f32 from vector<1xf32>
    %select_n3A_879 = arith.select %eq3A_876, %squeeze3A_878, %select_n3A_874 : f32
    %eq3A_880 = arith.constant 7 : i32
    %eq3A_881 = arith.cmpi eq, %sub3A_838, %eq3A_880 : i32
    %slice3A_882 = vector.extract_strided_slice %get3A_843 {offsets = [7], sizes = [1], strides = [1]} : vector<16xf32> to vector<1xf32>
    %squeeze3A_883 = vector.extract %slice3A_882[0] : f32 from vector<1xf32>
    %select_n3A_884 = arith.select %eq3A_881, %squeeze3A_883, %select_n3A_879 : f32
    %eq3A_885 = arith.constant 8 : i32
    %eq3A_886 = arith.cmpi eq, %sub3A_838, %eq3A_885 : i32
    %slice3A_887 = vector.extract_strided_slice %get3A_843 {offsets = [8], sizes = [1], strides = [1]} : vector<16xf32> to vector<1xf32>
    %squeeze3A_888 = vector.extract %slice3A_887[0] : f32 from vector<1xf32>
    %select_n3A_889 = arith.select %eq3A_886, %squeeze3A_888, %select_n3A_884 : f32
    %eq3A_890 = arith.constant 9 : i32
    %eq3A_891 = arith.cmpi eq, %sub3A_838, %eq3A_890 : i32
    %slice3A_892 = vector.extract_strided_slice %get3A_843 {offsets = [9], sizes = [1], strides = [1]} : vector<16xf32> to vector<1xf32>
    %squeeze3A_893 = vector.extract %slice3A_892[0] : f32 from vector<1xf32>
    %select_n3A_894 = arith.select %eq3A_891, %squeeze3A_893, %select_n3A_889 : f32
    %eq3A_895 = arith.constant 10 : i32
    %eq3A_896 = arith.cmpi eq, %sub3A_838, %eq3A_895 : i32
    %slice3A_897 = vector.extract_strided_slice %get3A_843 {offsets = [10], sizes = [1], strides = [1]} : vector<16xf32> to vector<1xf32>
    %squeeze3A_898 = vector.extract %slice3A_897[0] : f32 from vector<1xf32>
    %select_n3A_899 = arith.select %eq3A_896, %squeeze3A_898, %select_n3A_894 : f32
    %eq3A_900 = arith.constant 11 : i32
    %eq3A_901 = arith.cmpi eq, %sub3A_838, %eq3A_900 : i32
    %slice3A_902 = vector.extract_strided_slice %get3A_843 {offsets = [11], sizes = [1], strides = [1]} : vector<16xf32> to vector<1xf32>
    %squeeze3A_903 = vector.extract %slice3A_902[0] : f32 from vector<1xf32>
    %select_n3A_904 = arith.select %eq3A_901, %squeeze3A_903, %select_n3A_899 : f32
    %eq3A_905 = arith.constant 12 : i32
    %eq3A_906 = arith.cmpi eq, %sub3A_838, %eq3A_905 : i32
    %slice3A_907 = vector.extract_strided_slice %get3A_843 {offsets = [12], sizes = [1], strides = [1]} : vector<16xf32> to vector<1xf32>
    %squeeze3A_908 = vector.extract %slice3A_907[0] : f32 from vector<1xf32>
    %select_n3A_909 = arith.select %eq3A_906, %squeeze3A_908, %select_n3A_904 : f32
    %eq3A_910 = arith.constant 13 : i32
    %eq3A_911 = arith.cmpi eq, %sub3A_838, %eq3A_910 : i32
    %slice3A_912 = vector.extract_strided_slice %get3A_843 {offsets = [13], sizes = [1], strides = [1]} : vector<16xf32> to vector<1xf32>
    %squeeze3A_913 = vector.extract %slice3A_912[0] : f32 from vector<1xf32>
    %select_n3A_914 = arith.select %eq3A_911, %squeeze3A_913, %select_n3A_909 : f32
    %eq3A_915 = arith.constant 14 : i32
    %eq3A_916 = arith.cmpi eq, %sub3A_838, %eq3A_915 : i32
    %slice3A_917 = vector.extract_strided_slice %get3A_843 {offsets = [14], sizes = [1], strides = [1]} : vector<16xf32> to vector<1xf32>
    %squeeze3A_918 = vector.extract %slice3A_917[0] : f32 from vector<1xf32>
    %select_n3A_919 = arith.select %eq3A_916, %squeeze3A_918, %select_n3A_914 : f32
    %eq3A_920 = arith.constant 15 : i32
    %eq3A_921 = arith.cmpi eq, %sub3A_838, %eq3A_920 : i32
    %slice3A_922 = vector.extract_strided_slice %get3A_843 {offsets = [15], sizes = [1], strides = [1]} : vector<16xf32> to vector<1xf32>
    %squeeze3A_923 = vector.extract %slice3A_922[0] : f32 from vector<1xf32>
    %select_n3A_924 = arith.select %eq3A_921, %squeeze3A_923, %select_n3A_919 : f32
    %broadcast_in_dim3A_925 = vector.broadcast %select_n3A_924 : f32 to vector<16xf32>
    %mul3A_926 = arith.constant 16 : i32
    %mul3A_927 = arith.muli %select_n3A_835, %mul3A_926 : i32
    %add3A_928 = vector.broadcast %mul3A_927 : i32 to vector<16xi32>
    %add3A_929 = arith.addi %add3A_928, %iota3A : vector<16xi32>
    %eq3A_930 = arith.cmpf oeq, %get3A_843, %broadcast_in_dim3A_925 : vector<16xf32>
    %jit3A_931 = arith.constant 1.000000e+00 : f32
    %jit3A_932 = arith.constant 0.000000e+00 : f32
    %broadcast_in_dim3A_933 = vector.broadcast %jit3A_931 : f32 to vector<16xf32>
    %broadcast_in_dim3A_934 = vector.broadcast %jit3A_932 : f32 to vector<16xf32>
    %select_n3A_935 = arith.select %eq3A_930, %broadcast_in_dim3A_933, %broadcast_in_dim3A_934 : vector<16xi1>, vector<16xf32>
    %lt3A_936 = vector.broadcast %min3A_809 : i32 to vector<16xi32>
    %lt3A_937 = arith.cmpi slt, %add3A_929, %lt3A_936 : vector<16xi32>
    %jit3A_938 = arith.constant 1.000000e+00 : f32
    %jit3A_939 = arith.constant 0.000000e+00 : f32
    %broadcast_in_dim3A_940 = vector.broadcast %jit3A_938 : f32 to vector<16xf32>
    %broadcast_in_dim3A_941 = vector.broadcast %jit3A_939 : f32 to vector<16xf32>
    %select_n3A_942 = arith.select %lt3A_937, %broadcast_in_dim3A_940, %broadcast_in_dim3A_941 : vector<16xi1>, vector<16xf32>
    %mul3A_943 = arith.mulf %select_n3A_935, %select_n3A_942 : vector<16xf32>
    %scan3A_944 = arith.constant 0 : i32
    %scan3A_945 = arith.constant 6248 : i32
    %scan3A_946 = arith.addi %scan3A_944, %scan3A_945 : i32
    %scan3A_947 = arith.constant 8 : i32
    %scan3A_948 = scf.for %scan3A_1006 = %scan3A_944 to %scan3A_946 step %scan3A_947 iter_args(%scan3A_1007 = %mul3A_943) -> (vector<16xf32>)  : i32 {
      %mul3A_1008 = arith.constant 16 : i32
      %mul3A_1009 = arith.muli %scan3A_1006, %mul3A_1008 : i32
      %get3A_1010 = arith.index_cast %mul3A_1009 : i32 to index
      %get3A_1011 = tpu.vector_load %arg6[%get3A_1010] {strides = array<i32>} : memref<100000xf32, #tpu.memory_space<vmem>>, vector<16xf32>,
      %get3A_1012 = vector.shape_cast %get3A_1011 : vector<16xf32> to vector<16xf32>
      %lt3A_1013 = arith.cmpi slt, %scan3A_1006, %select_n3A_835 : i32
      %jit3A_1014 = arith.constant 1.000000e+00 : f32
      %jit3A_1015 = arith.constant 0.000000e+00 : f32
      %select_n3A_1016 = arith.select %lt3A_1013, %jit3A_1014, %jit3A_1015 : f32
      %gt3A_1017 = arith.cmpf ogt, %get3A_1012, %broadcast_in_dim3A_925 : vector<16xf32>
      %jit3A_1018 = arith.constant 1.000000e+00 : f32
      %jit3A_1019 = arith.constant 0.000000e+00 : f32
      %broadcast_in_dim3A_1020 = vector.broadcast %jit3A_1018 : f32 to vector<16xf32>
      %broadcast_in_dim3A_1021 = vector.broadcast %jit3A_1019 : f32 to vector<16xf32>
      %select_n3A_1022 = arith.select %gt3A_1017, %broadcast_in_dim3A_1020, %broadcast_in_dim3A_1021 : vector<16xi1>, vector<16xf32>
      %add3A_1023 = arith.addf %scan3A_1007, %select_n3A_1022 : vector<16xf32>
      %eq3A_1024 = arith.cmpf oeq, %get3A_1012, %broadcast_in_dim3A_925 : vector<16xf32>
      %jit3A_1025 = arith.constant 0.000000e+00 : f32
      %broadcast_in_dim3A_1026 = vector.broadcast %select_n3A_1016 : f32 to vector<16xf32>
      %broadcast_in_dim3A_1027 = vector.broadcast %jit3A_1025 : f32 to vector<16xf32>
      %select_n3A_1028 = arith.select %eq3A_1024, %broadcast_in_dim3A_1026, %broadcast_in_dim3A_1027 : vector<16xi1>, vector<16xf32>
      %add3A_1029 = arith.addf %add3A_1023, %select_n3A_1028 : vector<16xf32>
      %scan3A_1030 = arith.constant 1 : i32
      %scan3A_1031 = arith.addi %scan3A_1006, %scan3A_1030 : i32
      %mul3A_1032 = arith.constant 16 : i32
      %mul3A_1033 = arith.muli %scan3A_1031, %mul3A_1032 : i32
      %get3A_1034 = arith.index_cast %mul3A_1033 : i32 to index
      %get3A_1035 = tpu.vector_load %arg6[%get3A_1034] {strides = array<i32>} : memref<100000xf32, #tpu.memory_space<vmem>>, vector<16xf32>,
      %get3A_1036 = vector.shape_cast %get3A_1035 : vector<16xf32> to vector<16xf32>
      %lt3A_1037 = arith.cmpi slt, %scan3A_1031, %select_n3A_835 : i32
      %jit3A_1038 = arith.constant 1.000000e+00 : f32
      %jit3A_1039 = arith.constant 0.000000e+00 : f32
      %select_n3A_1040 = arith.select %lt3A_1037, %jit3A_1038, %jit3A_1039 : f32
      %gt3A_1041 = arith.cmpf ogt, %get3A_1036, %broadcast_in_dim3A_925 : vector<16xf32>
      %jit3A_1042 = arith.constant 1.000000e+00 : f32
      %jit3A_1043 = arith.constant 0.000000e+00 : f32
      %broadcast_in_dim3A_1044 = vector.broadcast %jit3A_1042 : f32 to vector<16xf32>
      %broadcast_in_dim3A_1045 = vector.broadcast %jit3A_1043 : f32 to vector<16xf32>
      %select_n3A_1046 = arith.select %gt3A_1041, %broadcast_in_dim3A_1044, %broadcast_in_dim3A_1045 : vector<16xi1>, vector<16xf32>
      %add3A_1047 = arith.addf %add3A_1029, %select_n3A_1046 : vector<16xf32>
      %eq3A_1048 = arith.cmpf oeq, %get3A_1036, %broadcast_in_dim3A_925 : vector<16xf32>
      %jit3A_1049 = arith.constant 0.000000e+00 : f32
      %broadcast_in_dim3A_1050 = vector.broadcast %select_n3A_1040 : f32 to vector<16xf32>
      %broadcast_in_dim3A_1051 = vector.broadcast %jit3A_1049 : f32 to vector<16xf32>
      %select_n3A_1052 = arith.select %eq3A_1048, %broadcast_in_dim3A_1050, %broadcast_in_dim3A_1051 : vector<16xi1>, vector<16xf32>
      %add3A_1053 = arith.addf %add3A_1047, %select_n3A_1052 : vector<16xf32>
      %scan3A_1054 = arith.constant 2 : i32
      %scan3A_1055 = arith.addi %scan3A_1006, %scan3A_1054 : i32
      %mul3A_1056 = arith.constant 16 : i32
      %mul3A_1057 = arith.muli %scan3A_1055, %mul3A_1056 : i32
      %get3A_1058 = arith.index_cast %mul3A_1057 : i32 to index
      %get3A_1059 = tpu.vector_load %arg6[%get3A_1058] {strides = array<i32>} : memref<100000xf32, #tpu.memory_space<vmem>>, vector<16xf32>,
      %get3A_1060 = vector.shape_cast %get3A_1059 : vector<16xf32> to vector<16xf32>
      %lt3A_1061 = arith.cmpi slt, %scan3A_1055, %select_n3A_835 : i32
      %jit3A_1062 = arith.constant 1.000000e+00 : f32
      %jit3A_1063 = arith.constant 0.000000e+00 : f32
      %select_n3A_1064 = arith.select %lt3A_1061, %jit3A_1062, %jit3A_1063 : f32
      %gt3A_1065 = arith.cmpf ogt, %get3A_1060, %broadcast_in_dim3A_925 : vector<16xf32>
      %jit3A_1066 = arith.constant 1.000000e+00 : f32
      %jit3A_1067 = arith.constant 0.000000e+00 : f32
      %broadcast_in_dim3A_1068 = vector.broadcast %jit3A_1066 : f32 to vector<16xf32>
      %broadcast_in_dim3A_1069 = vector.broadcast %jit3A_1067 : f32 to vector<16xf32>
      %select_n3A_1070 = arith.select %gt3A_1065, %broadcast_in_dim3A_1068, %broadcast_in_dim3A_1069 : vector<16xi1>, vector<16xf32>
      %add3A_1071 = arith.addf %add3A_1053, %select_n3A_1070 : vector<16xf32>
      %eq3A_1072 = arith.cmpf oeq, %get3A_1060, %broadcast_in_dim3A_925 : vector<16xf32>
      %jit3A_1073 = arith.constant 0.000000e+00 : f32
      %broadcast_in_dim3A_1074 = vector.broadcast %select_n3A_1064 : f32 to vector<16xf32>
      %broadcast_in_dim3A_1075 = vector.broadcast %jit3A_1073 : f32 to vector<16xf32>
      %select_n3A_1076 = arith.select %eq3A_1072, %broadcast_in_dim3A_1074, %broadcast_in_dim3A_1075 : vector<16xi1>, vector<16xf32>
      %add3A_1077 = arith.addf %add3A_1071, %select_n3A_1076 : vector<16xf32>
      %scan3A_1078 = arith.constant 3 : i32
      %scan3A_1079 = arith.addi %scan3A_1006, %scan3A_1078 : i32
      %mul3A_1080 = arith.constant 16 : i32
      %mul3A_1081 = arith.muli %scan3A_1079, %mul3A_1080 : i32
      %get3A_1082 = arith.index_cast %mul3A_1081 : i32 to index
      %get3A_1083 = tpu.vector_load %arg6[%get3A_1082] {strides = array<i32>} : memref<100000xf32, #tpu.memory_space<vmem>>, vector<16xf32>,
      %get3A_1084 = vector.shape_cast %get3A_1083 : vector<16xf32> to vector<16xf32>
      %lt3A_1085 = arith.cmpi slt, %scan3A_1079, %select_n3A_835 : i32
      %jit3A_1086 = arith.constant 1.000000e+00 : f32
      %jit3A_1087 = arith.constant 0.000000e+00 : f32
      %select_n3A_1088 = arith.select %lt3A_1085, %jit3A_1086, %jit3A_1087 : f32
      %gt3A_1089 = arith.cmpf ogt, %get3A_1084, %broadcast_in_dim3A_925 : vector<16xf32>
      %jit3A_1090 = arith.constant 1.000000e+00 : f32
      %jit3A_1091 = arith.constant 0.000000e+00 : f32
      %broadcast_in_dim3A_1092 = vector.broadcast %jit3A_1090 : f32 to vector<16xf32>
      %broadcast_in_dim3A_1093 = vector.broadcast %jit3A_1091 : f32 to vector<16xf32>
      %select_n3A_1094 = arith.select %gt3A_1089, %broadcast_in_dim3A_1092, %broadcast_in_dim3A_1093 : vector<16xi1>, vector<16xf32>
      %add3A_1095 = arith.addf %add3A_1077, %select_n3A_1094 : vector<16xf32>
      %eq3A_1096 = arith.cmpf oeq, %get3A_1084, %broadcast_in_dim3A_925 : vector<16xf32>
      %jit3A_1097 = arith.constant 0.000000e+00 : f32
      %broadcast_in_dim3A_1098 = vector.broadcast %select_n3A_1088 : f32 to vector<16xf32>
      %broadcast_in_dim3A_1099 = vector.broadcast %jit3A_1097 : f32 to vector<16xf32>
      %select_n3A_1100 = arith.select %eq3A_1096, %broadcast_in_dim3A_1098, %broadcast_in_dim3A_1099 : vector<16xi1>, vector<16xf32>
      %add3A_1101 = arith.addf %add3A_1095, %select_n3A_1100 : vector<16xf32>
      %scan3A_1102 = arith.constant 4 : i32
      %scan3A_1103 = arith.addi %scan3A_1006, %scan3A_1102 : i32
      %mul3A_1104 = arith.constant 16 : i32
      %mul3A_1105 = arith.muli %scan3A_1103, %mul3A_1104 : i32
      %get3A_1106 = arith.index_cast %mul3A_1105 : i32 to index
      %get3A_1107 = tpu.vector_load %arg6[%get3A_1106] {strides = array<i32>} : memref<100000xf32, #tpu.memory_space<vmem>>, vector<16xf32>,
      %get3A_1108 = vector.shape_cast %get3A_1107 : vector<16xf32> to vector<16xf32>
      %lt3A_1109 = arith.cmpi slt, %scan3A_1103, %select_n3A_835 : i32
      %jit3A_1110 = arith.constant 1.000000e+00 : f32
      %jit3A_1111 = arith.constant 0.000000e+00 : f32
      %select_n3A_1112 = arith.select %lt3A_1109, %jit3A_1110, %jit3A_1111 : f32
      %gt3A_1113 = arith.cmpf ogt, %get3A_1108, %broadcast_in_dim3A_925 : vector<16xf32>
      %jit3A_1114 = arith.constant 1.000000e+00 : f32
      %jit3A_1115 = arith.constant 0.000000e+00 : f32
      %broadcast_in_dim3A_1116 = vector.broadcast %jit3A_1114 : f32 to vector<16xf32>
      %broadcast_in_dim3A_1117 = vector.broadcast %jit3A_1115 : f32 to vector<16xf32>
      %select_n3A_1118 = arith.select %gt3A_1113, %broadcast_in_dim3A_1116, %broadcast_in_dim3A_1117 : vector<16xi1>, vector<16xf32>
      %add3A_1119 = arith.addf %add3A_1101, %select_n3A_1118 : vector<16xf32>
      %eq3A_1120 = arith.cmpf oeq, %get3A_1108, %broadcast_in_dim3A_925 : vector<16xf32>
      %jit3A_1121 = arith.constant 0.000000e+00 : f32
      %broadcast_in_dim3A_1122 = vector.broadcast %select_n3A_1112 : f32 to vector<16xf32>
      %broadcast_in_dim3A_1123 = vector.broadcast %jit3A_1121 : f32 to vector<16xf32>
      %select_n3A_1124 = arith.select %eq3A_1120, %broadcast_in_dim3A_1122, %broadcast_in_dim3A_1123 : vector<16xi1>, vector<16xf32>
      %add3A_1125 = arith.addf %add3A_1119, %select_n3A_1124 : vector<16xf32>
      %scan3A_1126 = arith.constant 5 : i32
      %scan3A_1127 = arith.addi %scan3A_1006, %scan3A_1126 : i32
      %mul3A_1128 = arith.constant 16 : i32
      %mul3A_1129 = arith.muli %scan3A_1127, %mul3A_1128 : i32
      %get3A_1130 = arith.index_cast %mul3A_1129 : i32 to index
      %get3A_1131 = tpu.vector_load %arg6[%get3A_1130] {strides = array<i32>} : memref<100000xf32, #tpu.memory_space<vmem>>, vector<16xf32>,
      %get3A_1132 = vector.shape_cast %get3A_1131 : vector<16xf32> to vector<16xf32>
      %lt3A_1133 = arith.cmpi slt, %scan3A_1127, %select_n3A_835 : i32
      %jit3A_1134 = arith.constant 1.000000e+00 : f32
      %jit3A_1135 = arith.constant 0.000000e+00 : f32
      %select_n3A_1136 = arith.select %lt3A_1133, %jit3A_1134, %jit3A_1135 : f32
      %gt3A_1137 = arith.cmpf ogt, %get3A_1132, %broadcast_in_dim3A_925 : vector<16xf32>
      %jit3A_1138 = arith.constant 1.000000e+00 : f32
      %jit3A_1139 = arith.constant 0.000000e+00 : f32
      %broadcast_in_dim3A_1140 = vector.broadcast %jit3A_1138 : f32 to vector<16xf32>
      %broadcast_in_dim3A_1141 = vector.broadcast %jit3A_1139 : f32 to vector<16xf32>
      %select_n3A_1142 = arith.select %gt3A_1137, %broadcast_in_dim3A_1140, %broadcast_in_dim3A_1141 : vector<16xi1>, vector<16xf32>
      %add3A_1143 = arith.addf %add3A_1125, %select_n3A_1142 : vector<16xf32>
      %eq3A_1144 = arith.cmpf oeq, %get3A_1132, %broadcast_in_dim3A_925 : vector<16xf32>
      %jit3A_1145 = arith.constant 0.000000e+00 : f32
      %broadcast_in_dim3A_1146 = vector.broadcast %select_n3A_1136 : f32 to vector<16xf32>
      %broadcast_in_dim3A_1147 = vector.broadcast %jit3A_1145 : f32 to vector<16xf32>
      %select_n3A_1148 = arith.select %eq3A_1144, %broadcast_in_dim3A_1146, %broadcast_in_dim3A_1147 : vector<16xi1>, vector<16xf32>
      %add3A_1149 = arith.addf %add3A_1143, %select_n3A_1148 : vector<16xf32>
      %scan3A_1150 = arith.constant 6 : i32
      %scan3A_1151 = arith.addi %scan3A_1006, %scan3A_1150 : i32
      %mul3A_1152 = arith.constant 16 : i32
      %mul3A_1153 = arith.muli %scan3A_1151, %mul3A_1152 : i32
      %get3A_1154 = arith.index_cast %mul3A_1153 : i32 to index
      %get3A_1155 = tpu.vector_load %arg6[%get3A_1154] {strides = array<i32>} : memref<100000xf32, #tpu.memory_space<vmem>>, vector<16xf32>,
      %get3A_1156 = vector.shape_cast %get3A_1155 : vector<16xf32> to vector<16xf32>
      %lt3A_1157 = arith.cmpi slt, %scan3A_1151, %select_n3A_835 : i32
      %jit3A_1158 = arith.constant 1.000000e+00 : f32
      %jit3A_1159 = arith.constant 0.000000e+00 : f32
      %select_n3A_1160 = arith.select %lt3A_1157, %jit3A_1158, %jit3A_1159 : f32
      %gt3A_1161 = arith.cmpf ogt, %get3A_1156, %broadcast_in_dim3A_925 : vector<16xf32>
      %jit3A_1162 = arith.constant 1.000000e+00 : f32
      %jit3A_1163 = arith.constant 0.000000e+00 : f32
      %broadcast_in_dim3A_1164 = vector.broadcast %jit3A_1162 : f32 to vector<16xf32>
      %broadcast_in_dim3A_1165 = vector.broadcast %jit3A_1163 : f32 to vector<16xf32>
      %select_n3A_1166 = arith.select %gt3A_1161, %broadcast_in_dim3A_1164, %broadcast_in_dim3A_1165 : vector<16xi1>, vector<16xf32>
      %add3A_1167 = arith.addf %add3A_1149, %select_n3A_1166 : vector<16xf32>
      %eq3A_1168 = arith.cmpf oeq, %get3A_1156, %broadcast_in_dim3A_925 : vector<16xf32>
      %jit3A_1169 = arith.constant 0.000000e+00 : f32
      %broadcast_in_dim3A_1170 = vector.broadcast %select_n3A_1160 : f32 to vector<16xf32>
      %broadcast_in_dim3A_1171 = vector.broadcast %jit3A_1169 : f32 to vector<16xf32>
      %select_n3A_1172 = arith.select %eq3A_1168, %broadcast_in_dim3A_1170, %broadcast_in_dim3A_1171 : vector<16xi1>, vector<16xf32>
      %add3A_1173 = arith.addf %add3A_1167, %select_n3A_1172 : vector<16xf32>
      %scan3A_1174 = arith.constant 7 : i32
      %scan3A_1175 = arith.addi %scan3A_1006, %scan3A_1174 : i32
      %mul3A_1176 = arith.constant 16 : i32
      %mul3A_1177 = arith.muli %scan3A_1175, %mul3A_1176 : i32
      %get3A_1178 = arith.index_cast %mul3A_1177 : i32 to index
      %get3A_1179 = tpu.vector_load %arg6[%get3A_1178] {strides = array<i32>} : memref<100000xf32, #tpu.memory_space<vmem>>, vector<16xf32>,
      %get3A_1180 = vector.shape_cast %get3A_1179 : vector<16xf32> to vector<16xf32>
      %lt3A_1181 = arith.cmpi slt, %scan3A_1175, %select_n3A_835 : i32
      %jit3A_1182 = arith.constant 1.000000e+00 : f32
      %jit3A_1183 = arith.constant 0.000000e+00 : f32
      %select_n3A_1184 = arith.select %lt3A_1181, %jit3A_1182, %jit3A_1183 : f32
      %gt3A_1185 = arith.cmpf ogt, %get3A_1180, %broadcast_in_dim3A_925 : vector<16xf32>
      %jit3A_1186 = arith.constant 1.000000e+00 : f32
      %jit3A_1187 = arith.constant 0.000000e+00 : f32
      %broadcast_in_dim3A_1188 = vector.broadcast %jit3A_1186 : f32 to vector<16xf32>
      %broadcast_in_dim3A_1189 = vector.broadcast %jit3A_1187 : f32 to vector<16xf32>
      %select_n3A_1190 = arith.select %gt3A_1185, %broadcast_in_dim3A_1188, %broadcast_in_dim3A_1189 : vector<16xi1>, vector<16xf32>
      %add3A_1191 = arith.addf %add3A_1173, %select_n3A_1190 : vector<16xf32>
      %eq3A_1192 = arith.cmpf oeq, %get3A_1180, %broadcast_in_dim3A_925 : vector<16xf32>
      %jit3A_1193 = arith.constant 0.000000e+00 : f32
      %broadcast_in_dim3A_1194 = vector.broadcast %select_n3A_1184 : f32 to vector<16xf32>
      %broadcast_in_dim3A_1195 = vector.broadcast %jit3A_1193 : f32 to vector<16xf32>
      %select_n3A_1196 = arith.select %eq3A_1192, %broadcast_in_dim3A_1194, %broadcast_in_dim3A_1195 : vector<16xi1>, vector<16xf32>
      %add3A_1197 = arith.addf %add3A_1191, %select_n3A_1196 : vector<16xf32>
      scf.yield %add3A_1197 : vector<16xf32>
    }
    %scan3A_949 = arith.constant 6248 : i32
    %scan3A_950 = arith.addi %scan3A_944, %scan3A_949 : i32
    %mul3A_951 = arith.constant 16 : i32
    %mul3A_952 = arith.muli %scan3A_950, %mul3A_951 : i32
    %get3A_953 = arith.index_cast %mul3A_952 : i32 to index
    %get3A_954 = tpu.vector_load %arg6[%get3A_953] {strides = array<i32>} : memref<100000xf32, #tpu.memory_space<vmem>>, vector<16xf32>,
    %get3A_955 = vector.shape_cast %get3A_954 : vector<16xf32> to vector<16xf32>
    %lt3A_956 = arith.cmpi slt, %scan3A_950, %select_n3A_835 : i32
    %jit3A_957 = arith.constant 1.000000e+00 : f32
    %jit3A_958 = arith.constant 0.000000e+00 : f32
    %select_n3A_959 = arith.select %lt3A_956, %jit3A_957, %jit3A_958 : f32
    %gt3A_960 = arith.cmpf ogt, %get3A_955, %broadcast_in_dim3A_925 : vector<16xf32>
    %jit3A_961 = arith.constant 1.000000e+00 : f32
    %jit3A_962 = arith.constant 0.000000e+00 : f32
    %broadcast_in_dim3A_963 = vector.broadcast %jit3A_961 : f32 to vector<16xf32>
    %broadcast_in_dim3A_964 = vector.broadcast %jit3A_962 : f32 to vector<16xf32>
    %select_n3A_965 = arith.select %gt3A_960, %broadcast_in_dim3A_963, %broadcast_in_dim3A_964 : vector<16xi1>, vector<16xf32>
    %add3A_966 = arith.addf %scan3A_948, %select_n3A_965 : vector<16xf32>
    %eq3A_967 = arith.cmpf oeq, %get3A_955, %broadcast_in_dim3A_925 : vector<16xf32>
    %jit3A_968 = arith.constant 0.000000e+00 : f32
    %broadcast_in_dim3A_969 = vector.broadcast %select_n3A_959 : f32 to vector<16xf32>
    %broadcast_in_dim3A_970 = vector.broadcast %jit3A_968 : f32 to vector<16xf32>
    %select_n3A_971 = arith.select %eq3A_967, %broadcast_in_dim3A_969, %broadcast_in_dim3A_970 : vector<16xi1>, vector<16xf32>
    %add3A_972 = arith.addf %add3A_966, %select_n3A_971 : vector<16xf32>
    %scan3A_973 = arith.constant 6249 : i32
    %scan3A_974 = arith.addi %scan3A_944, %scan3A_973 : i32
    %mul3A_975 = arith.constant 16 : i32
    %mul3A_976 = arith.muli %scan3A_974, %mul3A_975 : i32
    %get3A_977 = arith.index_cast %mul3A_976 : i32 to index
    %get3A_978 = tpu.vector_load %arg6[%get3A_977] {strides = array<i32>} : memref<100000xf32, #tpu.memory_space<vmem>>, vector<16xf32>,
    %get3A_979 = vector.shape_cast %get3A_978 : vector<16xf32> to vector<16xf32>
    %lt3A_980 = arith.cmpi slt, %scan3A_974, %select_n3A_835 : i32
    %jit3A_981 = arith.constant 1.000000e+00 : f32
    %jit3A_982 = arith.constant 0.000000e+00 : f32
    %select_n3A_983 = arith.select %lt3A_980, %jit3A_981, %jit3A_982 : f32
    %gt3A_984 = arith.cmpf ogt, %get3A_979, %broadcast_in_dim3A_925 : vector<16xf32>
    %jit3A_985 = arith.constant 1.000000e+00 : f32
    %jit3A_986 = arith.constant 0.000000e+00 : f32
    %broadcast_in_dim3A_987 = vector.broadcast %jit3A_985 : f32 to vector<16xf32>
    %broadcast_in_dim3A_988 = vector.broadcast %jit3A_986 : f32 to vector<16xf32>
    %select_n3A_989 = arith.select %gt3A_984, %broadcast_in_dim3A_987, %broadcast_in_dim3A_988 : vector<16xi1>, vector<16xf32>
    %add3A_990 = arith.addf %add3A_972, %select_n3A_989 : vector<16xf32>
    %eq3A_991 = arith.cmpf oeq, %get3A_979, %broadcast_in_dim3A_925 : vector<16xf32>
    %jit3A_992 = arith.constant 0.000000e+00 : f32
    %broadcast_in_dim3A_993 = vector.broadcast %select_n3A_983 : f32 to vector<16xf32>
    %broadcast_in_dim3A_994 = vector.broadcast %jit3A_992 : f32 to vector<16xf32>
    %select_n3A_995 = arith.select %eq3A_991, %broadcast_in_dim3A_993, %broadcast_in_dim3A_994 : vector<16xi1>, vector<16xf32>
    %add3A_996 = arith.addf %add3A_990, %select_n3A_995 : vector<16xf32>
    %scan3A_997 = arith.constant 6250 : i32
    %swap3A_998 = arith.constant 0 : index
    %swap3A_999 = tpu.vector_load %arg7[%swap3A_998] {strides = array<i32>} : memref<16xf32, #tpu.memory_space<vmem>>, vector<16xf32>,
    %swap3A_1000 = vector.shape_cast %swap3A_999 : vector<16xf32> to vector<16xf32>
    %swap3A_1001 = vector.shape_cast %add3A_996 : vector<16xf32> to vector<16xf32>
    tpu.vector_store %arg7[%swap3A_998], %swap3A_1001 {strides = array<i32>} : memref<16xf32, #tpu.memory_space<vmem>>, vector<16xf32>,
    %sub3A_1002 = arith.constant 928 : i32
    %sub3A_1003 = arith.subi %add3A_4, %sub3A_1002 : i32
    %add3A_1004 = arith.constant 2 : i32
    %add3A_1005 = arith.addi %sub3A_1003, %add3A_1004 : i32
    "tpu.region"() ({
      %run_scoped3A = tpu.sem_alloc : memref<!tpu.dma_semaphore, #tpu.memory_space<semaphore_mem>>
      %dma_start3A = arith.constant 0 : i32
      %dma_start3A_1006 = tpu.memref_slice %arg4[%add3A_1005, %dma_start3A] : memref<96x16xf32, #tpu.memory_space<hbm>> -> memref<1x16xf32, #tpu.memory_space<hbm>>
      %dma_start3A_1007 = tpu.memref_squeeze %dma_start3A_1006 : memref<1x16xf32, #tpu.memory_space<hbm>> -> memref<16xf32, #tpu.memory_space<hbm>>
      %dma_start3A_1008 = arith.constant 0 : i32
      %dma_start3A_1009 = tpu.memref_slice %arg4[%add3A_1005, %dma_start3A_1008] : memref<96x16xf32, #tpu.memory_space<hbm>> -> memref<1x16xf32, #tpu.memory_space<hbm>>
      %dma_start3A_1010 = tpu.memref_squeeze %dma_start3A_1009 : memref<1x16xf32, #tpu.memory_space<hbm>> -> memref<16xf32, #tpu.memory_space<hbm>>
      tpu.enqueue_dma source(%arg7 : memref<16xf32, #tpu.memory_space<vmem>>) target(%dma_start3A_1010 : memref<16xf32, #tpu.memory_space<hbm>>) target_semaphore(%run_scoped3A : memref<!tpu.dma_semaphore, #tpu.memory_space<semaphore_mem>>)
      %dma_wait3A = arith.constant 0 : i32
      %dma_wait3A_1011 = tpu.memref_slice %arg4[%add3A_1005, %dma_wait3A] : memref<96x16xf32, #tpu.memory_space<hbm>> -> memref<1x16xf32, #tpu.memory_space<hbm>>
      %dma_wait3A_1012 = tpu.memref_squeeze %dma_wait3A_1011 : memref<1x16xf32, #tpu.memory_space<hbm>> -> memref<16xf32, #tpu.memory_space<hbm>>
      %dma_wait3A_1013 = arith.constant 0 : i32
      %dma_wait3A_1014 = tpu.memref_slice %arg4[%add3A_1005, %dma_wait3A_1013] : memref<96x16xf32, #tpu.memory_space<hbm>> -> memref<1x16xf32, #tpu.memory_space<hbm>>
      %dma_wait3A_1015 = tpu.memref_squeeze %dma_wait3A_1014 : memref<1x16xf32, #tpu.memory_space<hbm>> -> memref<16xf32, #tpu.memory_space<hbm>>
      tpu.wait_dma2 semaphore(%run_scoped3A : memref<!tpu.dma_semaphore, #tpu.memory_space<semaphore_mem>>) src(%arg7 : memref<16xf32, #tpu.memory_space<vmem>>) dst(%dma_wait3A_1015 : memref<16xf32, #tpu.memory_space<hbm>>)
      tpu.yield
    }) : () -> ()
    return
  }
}

module attributes {stable_mosaic.version = 14 : i64} {
  func.func @_tc_body(%arg0: i32, %arg1: memref<32x1xi32, #tpu.memory_space<vmem>>, %arg2: memref<32x100000xf32, #tpu.memory_space<vmem>>, %arg3: memref<1x2xf32, #tpu.memory_space<smem>>, %arg4: memref<2xf32, #tpu.memory_space<smem>>) attributes {dimension_semantics = [#tpu.dimension_semantics<arbitrary>], iteration_bounds = array<i64: 29>, scalar_prefetch = 0 : i64, scratch_operands = 1 : i64, tpu.core_type = #tpu.core_type<tc>, window_params = [{transform_indices = @transform_0, window_bounds = array<i64: 32, 1>}, {transform_indices = @transform_1, window_bounds = array<i64: 32, 100000>}, {transform_indices = @transform_2, window_bounds = array<i64: 1, 2>}]} {
    %eq3A = arith.constant 0 : i32
    %eq3A_0 = arith.cmpi eq, %arg0, %eq3A : i32
    %convert_element_type3A = arith.extui %eq3A_0 : i1 to i32
    %cond3A = arith.constant 0 : i32
    %cond3A_1 = arith.cmpi ne, %convert_element_type3A, %cond3A : i32
    scf.if %cond3A_1 {
      %swap3A_57 = arith.constant 0.000000e+00 : f32
      %swap3A_58 = arith.constant 0 : index
      %swap3A_59 = memref.load %arg4[%swap3A_58] : memref<2xf32, #tpu.memory_space<smem>>
      memref.store %swap3A_57, %arg4[%swap3A_58] : memref<2xf32, #tpu.memory_space<smem>>
      %swap3A_60 = arith.constant 0.000000e+00 : f32
      %swap3A_61 = arith.constant 1 : index
      %swap3A_62 = memref.load %arg4[%swap3A_61] : memref<2xf32, #tpu.memory_space<smem>>
      memref.store %swap3A_60, %arg4[%swap3A_61] : memref<2xf32, #tpu.memory_space<smem>>
    } else {
    }
    %get3A = arith.constant 0 : index
    %get3A_2 = arith.constant 0 : index
    %get3A_3 = vector.load %arg2[%get3A, %get3A_2] : memref<32x100000xf32, #tpu.memory_space<vmem>>, vector<32x100000xf32>
    %get3A_4 = arith.constant 0 : index
    %get3A_5 = arith.constant 0 : index
    %get3A_6 = vector.load %arg1[%get3A_4, %get3A_5] : memref<32x1xi32, #tpu.memory_space<vmem>>, vector<32x1xi32>
    %jit3A = arith.constant 0 : i32
    %jit3A_7 = arith.constant 99999 : i32
    %max3A = vector.broadcast %jit3A : i32 to vector<32x1xi32>
    %max3A_8 = arith.maxsi %max3A, %get3A_6 : vector<32x1xi32>
    %min3A = vector.broadcast %jit3A_7 : i32 to vector<32x1xi32>
    %min3A_9 = arith.minsi %min3A, %max3A_8 : vector<32x1xi32>
    %iota3A = tpu.iota {dimensions = array<i32: 1>} : vector<32x100000xi32>
    %eq3A_10 = vector.broadcast %min3A_9 : vector<32x1xi32> to vector<32x100000xi32>
    %eq3A_11 = arith.cmpi eq, %iota3A, %eq3A_10 : vector<32x100000xi32>
    %jit3A_12 = arith.constant 0.000000e+00 : f32
    %broadcast_in_dim3A = vector.broadcast %jit3A_12 : f32 to vector<32x100000xf32>
    %select_n3A = arith.select %eq3A_11, %get3A_3, %broadcast_in_dim3A : vector<32x100000xi1>, vector<32x100000xf32>
    %reduce_sum3A = arith.constant dense<0.000000e+00> : vector<32xf32>
    %reduce_sum3A_13 = vector.multi_reduction <add>, %select_n3A, %reduce_sum3A [1] : vector<32x100000xf32> to vector<32xf32>
    %broadcast_in_dim3A_14 = vector.shape_cast %reduce_sum3A_13 : vector<32xf32> to vector<32x1xf32>
    %gt3A = vector.broadcast %broadcast_in_dim3A_14 : vector<32x1xf32> to vector<32x100000xf32>
    %gt3A_15 = arith.cmpf ogt, %get3A_3, %gt3A : vector<32x100000xf32>
    %eq3A_16 = vector.broadcast %broadcast_in_dim3A_14 : vector<32x1xf32> to vector<32x100000xf32>
    %eq3A_17 = arith.cmpf oeq, %get3A_3, %eq3A_16 : vector<32x100000xf32>
    %lt3A = vector.broadcast %min3A_9 : vector<32x1xi32> to vector<32x100000xi32>
    %lt3A_18 = arith.cmpi slt, %iota3A, %lt3A : vector<32x100000xi32>
    %and3A = arith.andi %eq3A_17, %lt3A_18 : vector<32x100000xi1>
    %or3A = arith.ori %gt3A_15, %and3A : vector<32x100000xi1>
    %convert_element_type3A_19 = arith.extui %or3A : vector<32x100000xi1> to vector<32x100000xi32>
    %convert_element_type3A_20 = arith.sitofp %convert_element_type3A_19 : vector<32x100000xi32> to vector<32x100000xf32>
    %reduce_sum3A_21 = arith.constant dense<0.000000e+00> : vector<32xf32>
    %reduce_sum3A_22 = vector.multi_reduction <add>, %convert_element_type3A_20, %reduce_sum3A_21 [1] : vector<32x100000xf32> to vector<32xf32>
    %broadcast_in_dim3A_23 = vector.shape_cast %reduce_sum3A_22 : vector<32xf32> to vector<32x1xf32>
    %ne3A = arith.constant -1 : i32
    %ne3A_24 = vector.broadcast %ne3A : i32 to vector<32x1xi32>
    %ne3A_25 = arith.cmpi ne, %get3A_6, %ne3A_24 : vector<32x1xi32>
    %lt3A_26 = arith.constant 5.000000e+00 : f32
    %lt3A_27 = vector.broadcast %lt3A_26 : f32 to vector<32x1xf32>
    %lt3A_28 = arith.cmpf olt, %broadcast_in_dim3A_23, %lt3A_27 : vector<32x1xf32>
    %and3A_29 = arith.andi %lt3A_28, %ne3A_25 : vector<32x1xi1>
    %get3A_30 = arith.constant 0 : index
    %get3A_31 = memref.load %arg4[%get3A_30] : memref<2xf32, #tpu.memory_space<smem>>
    %convert_element_type3A_32 = arith.extui %and3A_29 : vector<32x1xi1> to vector<32x1xi32>
    %convert_element_type3A_33 = arith.sitofp %convert_element_type3A_32 : vector<32x1xi32> to vector<32x1xf32>
    %reduce_sum3A_34 = vector.shape_cast %convert_element_type3A_33 : vector<32x1xf32> to vector<1x32x1xf32>
    %reduce_sum3A_35 = arith.constant dense<0.000000e+00> : vector<1xf32>
    %reduce_sum3A_36 = vector.multi_reduction <add>, %reduce_sum3A_34, %reduce_sum3A_35 [1, 2] : vector<1x32x1xf32> to vector<1xf32>
    %reduce_sum3A_37 = vector.shape_cast %reduce_sum3A_36 : vector<1xf32> to vector<1x1x1xf32>
    %reduce_sum3A_38 = vector.extract %reduce_sum3A_37[0, 0, 0] : f32 from vector<1x1x1xf32>
    %add3A = arith.addf %get3A_31, %reduce_sum3A_38 : f32
    %swap3A = arith.constant 0 : index
    %swap3A_39 = memref.load %arg4[%swap3A] : memref<2xf32, #tpu.memory_space<smem>>
    memref.store %add3A, %arg4[%swap3A] : memref<2xf32, #tpu.memory_space<smem>>
    %get3A_40 = arith.constant 1 : index
    %get3A_41 = memref.load %arg4[%get3A_40] : memref<2xf32, #tpu.memory_space<smem>>
    %convert_element_type3A_42 = arith.extui %ne3A_25 : vector<32x1xi1> to vector<32x1xi32>
    %convert_element_type3A_43 = arith.sitofp %convert_element_type3A_42 : vector<32x1xi32> to vector<32x1xf32>
    %reduce_sum3A_44 = vector.shape_cast %convert_element_type3A_43 : vector<32x1xf32> to vector<1x32x1xf32>
    %reduce_sum3A_45 = arith.constant dense<0.000000e+00> : vector<1xf32>
    %reduce_sum3A_46 = vector.multi_reduction <add>, %reduce_sum3A_44, %reduce_sum3A_45 [1, 2] : vector<1x32x1xf32> to vector<1xf32>
    %reduce_sum3A_47 = vector.shape_cast %reduce_sum3A_46 : vector<1xf32> to vector<1x1x1xf32>
    %reduce_sum3A_48 = vector.extract %reduce_sum3A_47[0, 0, 0] : f32 from vector<1x1x1xf32>
    %add3A_49 = arith.addf %get3A_41, %reduce_sum3A_48 : f32
    %swap3A_50 = arith.constant 1 : index
    %swap3A_51 = memref.load %arg4[%swap3A_50] : memref<2xf32, #tpu.memory_space<smem>>
    memref.store %add3A_49, %arg4[%swap3A_50] : memref<2xf32, #tpu.memory_space<smem>>
    %eq3A_52 = arith.constant 28 : i32
    %eq3A_53 = arith.cmpi eq, %arg0, %eq3A_52 : i32
    %convert_element_type3A_54 = arith.extui %eq3A_53 : i1 to i32
    %cond3A_55 = arith.constant 0 : i32
    %cond3A_56 = arith.cmpi ne, %convert_element_type3A_54, %cond3A_55 : i32
    scf.if %cond3A_56 {
      %get3A_57 = arith.constant 0 : index
      %get3A_58 = memref.load %arg4[%get3A_57] : memref<2xf32, #tpu.memory_space<smem>>
      %swap3A_59 = arith.constant 0 : index
      %swap3A_60 = arith.constant 0 : index
      %swap3A_61 = memref.load %arg3[%swap3A_59, %swap3A_60] : memref<1x2xf32, #tpu.memory_space<smem>>
      memref.store %get3A_58, %arg3[%swap3A_59, %swap3A_60] : memref<1x2xf32, #tpu.memory_space<smem>>
      %get3A_62 = arith.constant 1 : index
      %get3A_63 = memref.load %arg4[%get3A_62] : memref<2xf32, #tpu.memory_space<smem>>
      %swap3A_64 = arith.constant 0 : index
      %swap3A_65 = arith.constant 1 : index
      %swap3A_66 = memref.load %arg3[%swap3A_64, %swap3A_65] : memref<1x2xf32, #tpu.memory_space<smem>>
      memref.store %get3A_63, %arg3[%swap3A_64, %swap3A_65] : memref<1x2xf32, #tpu.memory_space<smem>>
    } else {
    }
    return
  }
  func.func @transform_0(%arg0: i32) -> (i32, i32) {
    %c0_i32 = arith.constant 0 : i32
    %c0_i32_0 = arith.constant 0 : i32
    return %arg0, %c0_i32 : i32, i32
  }
  func.func @transform_1(%arg0: i32) -> (i32, i32) {
    %c0_i32 = arith.constant 0 : i32
    %c0_i32_0 = arith.constant 0 : i32
    return %arg0, %c0_i32 : i32, i32
  }
  func.func @transform_2(%arg0: i32) -> (i32, i32) {
    %c0_i32 = arith.constant 0 : i32
    %c0_i32_0 = arith.constant 0 : i32
    %c0_i32_1 = arith.constant 0 : i32
    return %c0_i32, %c0_i32_0 : i32, i32
  }
}

</mosaic_0001>

<sc_bundles>
// kernel: kernel.4.cloned.1.call-start
scs
__scs_entry_jumppad:
0x0: {  	(pc) =	sbr.rel $0x88, $3  }
0x1: {  	(tag) =	ssettag $0x0;
	lr =	simm.s32 $0x1  }
0x2: {  	[smem:$0x3F9F] =	sst lr;
	_ =	strace $0xD0000000  }
0x3: {  	_ = 	snop  }
0x4: {  	_ = 	snop  }
0x5: {  	_ = 	snop  }
0x6: {  	_ = 	snop  }
0x7: {  	_ = 	snop  }
__scs_overlays_trampoline_lowered:
0x8: {  	[smem:$0x3FAE] =	sst s0  }
0x9: {  	[smem:$0x3FAF] =	sst s1  }
0xa: {  	[smem:$0x3FB0] =	sst s2  }
0xb: {  	[smem:$0x3FB1] =	sst s3  }
0xc: {  	[smem:$0x3FB2] =	sst s4  }
0xd: {  	[smem:$0x3FB3] =	sst s5  }
0xe: {  	[smem:$0x3FB4] =	sst s6  }
0xf: {  	[smem:$0x3FB5] =	sst s7  }
0x10: {  	[smem:$0x3FB6] =	sst s8  }
0x11: {  	[smem:$0x3FB7] =	sst s9;
	s0 =	simm.s32 @!p0 $0x0  }
0x12: {  	s1 =	sld [smem:$0x3F9D];
	s0 =	simm.s32 @p0 $0x1  }
0x13: {  	[smem:$0x3FB8] =	sst s0;
	s0 =	simm.s32 @!p1 $0x0  }
0x14: {  	s2 =	sld [smem:$0x3F9C];
	s0 =	simm.s32 @p1 $0x1  }
0x15: {  	[smem:$0x3FB9] =	sst s0;
	s0 =	simm.s32 @!p2 $0x0  }
0x16: {  	s3 =	sld [smem:$0x3FDB];
	s0 =	simm.s32 @p2 $0x1  }
0x17: {  	s4 =	simm.s32 $0x1BF5;
	[smem:$0x3FBB] =	sst s0  }
0x18: {  	s0 =	sld [smem:$0x3F9E];
	_ =	swait.ge [sflag:s4], $0x0  }
0x19: {  	s7 =	sld [smem:$0x3F9F]  }
0x1a: {  	s8 =	sadd.s32 $0xFFFFE003, lr  }
0x1b: {  	s9 =	sadd.s32 $0xFFFFFEF7, lr;
	s5 =	simm.s32 $0xFFFFFFFF;
	p2 =	slt.u32 s8, $0xFFFFF086  }
0x1c: {  	p1 =	slt.u32 s9, $0xF7A;
	s5 =	simm.s32 @!p2 $0x0  }
0x1d: {  	s5 =	simm.s32 @p1 $0x1;
	p0 =	seq.s32 s7, s2  }
0x1e: {  	s7 =	smul.u32 @!p0 $0xF7A, s2;
	p2 =	seq.s32 @!p0 s5, $0x0  }
0x1f: {  	s9 =	smul.u32 $0xF7A, s1;
	s8 =	simm.s32 @!p0 $0x1BF5;
	p2 =	por !p2, p0  }
0x20: {  	[sflag:s8] =	ssyncset.s32 @!p0 $0xFFFFF086;
	s6 =	sadd.s32 @!p0 s3, s7;
	s7 =	simm.s32 @!p0 $0x108  }
0x21: {  	s3 =	sadd.s32 s3, s9;
	s6 =	sadd.s32 @!p0 $0x88, s6;
	s7 =	simm.s32 @p2 $0x1082  }
0x22: {  	[simem:s7], [sflag:s8] =	dma.local @!p0 [hbm:s6], $0xF7A  }
0x23: {  	s9 =	sor.u32 $0xD0000000, s2;
	s6 =	simm.s32 $0x108;
	_ =	swait.ge @!p0 [sflag:s8], $0x0  }
0x24: {  	s3 =	sadd.s32 $0x88, s3;
	s6 =	simm.s32 @!p1 $0x1082;
	[sflag:s4] =	ssyncset.s32 $0xFFFFF086  }
0x25: {  	[simem:s6], [sflag:s4] =	dma.local [hbm:s3], $0xF7A  }
0x26: {  	[smem:$0x3F9F] =	sst s1;
	(tag) =	ssettag s2;
	_ =	strace s9  }
0x27: {  	s1 =	sld [smem:$0x3FAF]  }
0x28: {  	s2 =	sld [smem:$0x3FB0]  }
0x29: {  	s4 =	sld [smem:$0x3FB2]  }
0x2a: {  	p0 =	seq.s32 s5, $0x0;
	s5 =	sld [smem:$0x3FB3]  }
0x2b: {  	s6 =	sld [smem:$0x3FB4]  }
0x2c: {  	s7 =	sld [smem:$0x3FB5]  }
0x2d: {  	s3 =	simm.s32 $0x108;
	s8 =	sld [smem:$0x3FB6]  }
0x2e: {  	s3 =	simm.s32 @!p0 $0x1082;
	s9 =	sld [smem:$0x3FB7]  }
0x2f: {  	lr =	sadd.s32 s0, s3;
	s0 =	sld [smem:$0x3FAE]  }
0x30: {  	s3 =	sld [smem:$0x3FB1]  }
0x31: {  	[smem:$0x3FBA] =	sst s10  }
0x32: {  	s10 =	sld [smem:$0x3FB8];
	_ =	sdelay $0x3  }
0x33: {  	p0 =	seq.s32 s10, $0x1;
	s10 =	sld [smem:$0x3FBA];
	_ =	sdelay $0x3  }
0x34: {  	[smem:$0x3FBA] =	sst s10  }
0x35: {  	s10 =	sld [smem:$0x3FB9];
	_ =	sdelay $0x3  }
0x36: {  	p1 =	seq.s32 s10, $0x1;
	s10 =	sld [smem:$0x3FBA];
	_ =	sdelay $0x3  }
0x37: {  	[smem:$0x3FBA] =	sst s10  }
0x38: {  	s10 =	sld [smem:$0x3FBB]  }
0x39: {  	_ = 	snop;
	(pc) =	sbr.ind lr, $3  }
0x3a: {  	_ = 	snop  }
0x3b: {  	_ = 	snop  }
0x3c: {  	p2 =	seq.s32 s10, $0x1;
	s10 =	sld [smem:$0x3FBA]  }
0x3d: {  	_ =	shalt  }
0x3e: {  	_ =	shalt  }
0x3f: {  	_ =	shalt  }
0x40: {  	_ =	shalt  }
0x41: {  	_ =	shalt  }
0x42: {  	_ =	shalt  }
0x43: {  	_ =	shalt  }
0x44: {  	_ =	shalt  }
0x45: {  	_ =	shalt  }
0x46: {  	_ =	shalt  }
0x47: {  	_ =	shalt  }
0x48: {  	_ =	shalt  }
0x49: {  	_ =	shalt  }
0x4a: {  	_ =	shalt  }
0x4b: {  	_ =	shalt  }
0x4c: {  	_ =	shalt  }
0x4d: {  	_ =	shalt  }
0x4e: {  	_ =	shalt  }
0x4f: {  	_ =	shalt  }
0x50: {  	_ =	shalt  }
0x51: {  	_ =	shalt  }
0x52: {  	_ =	shalt  }
0x53: {  	_ =	shalt  }
0x54: {  	_ =	shalt  }
0x55: {  	_ =	shalt  }
0x56: {  	_ =	shalt  }
0x57: {  	_ =	shalt  }
0x58: {  	_ =	shalt  }
0x59: {  	_ =	shalt  }
0x5a: {  	_ =	shalt  }
0x5b: {  	_ =	shalt  }
0x5c: {  	_ =	shalt  }
0x5d: {  	_ =	shalt  }
0x5e: {  	_ =	shalt  }
0x5f: {  	_ =	shalt  }
0x60: {  	_ =	shalt  }
0x61: {  	_ =	shalt  }
0x62: {  	_ =	shalt  }
0x63: {  	_ =	shalt  }
0x64: {  	_ =	shalt  }
0x65: {  	_ =	shalt  }
0x66: {  	_ =	shalt  }
0x67: {  	_ =	shalt  }
0x68: {  	_ =	shalt  }
0x69: {  	_ =	shalt  }
0x6a: {  	_ =	shalt  }
0x6b: {  	_ =	shalt  }
0x6c: {  	_ =	shalt  }
0x6d: {  	_ =	shalt  }
0x6e: {  	_ =	shalt  }
0x6f: {  	_ =	shalt  }
0x70: {  	_ =	shalt  }
0x71: {  	_ =	shalt  }
0x72: {  	_ =	shalt  }
0x73: {  	_ =	shalt  }
0x74: {  	_ =	shalt  }
0x75: {  	_ =	shalt  }
0x76: {  	_ =	shalt  }
0x77: {  	_ =	shalt  }
0x78: {  	_ =	shalt  }
0x79: {  	_ =	shalt  }
0x7a: {  	_ =	shalt  }
0x7b: {  	_ =	shalt  }
0x7c: {  	_ =	shalt  }
0x7d: {  	_ =	shalt  }
0x7e: {  	_ =	shalt  }
0x7f: {  	_ =	shalt  }
0x80: {  	_ =	shalt  }
0x81: {  	_ =	shalt  }
0x82: {  	_ =	shalt  }
0x83: {  	_ =	shalt  }
0x84: {  	_ =	shalt  }
0x85: {  	_ =	shalt  }
0x86: {  	_ =	shalt  }
0x87: {  	_ =	shalt  }
.Lfunc_end0:
.L_simem_size_0:
called_computation_lowered:
.L_overlay_start_0:
0x88: {  	s2 =	sld [smem:$0x3FD9]  }
0x89: {  	s3 =	sld [smem:$0x3FFE];
	_ =	sdelay $0x1  }
0x8a: {  	s1 =	srdreg.scid  }
0x8b: {  	s0 =	sand.u32 $0x1, s1  }
0x8c: {  	s17 =	sshll.u32 s0, $0xA;
	s2 =	sadd.s32 s3, s2  }
0x8d: {  	s2 =	sadd.s32 s2, s17  }
0x8e: {  	[smem:$0x3FC6] =	sst s2  }
0x8f: {  	_ = 	snop  }
0x90: {  	s2 =	sld [smem:$0x3FC8];
	(tm) =	ssettm $0x1  }
0x91: {  	s18 =	sld [smem:$0x3FFB];
	_ =	sdelay $0x3  }
0x92: {  	_ =	strace s18  }
0x93: {  	s3 =	sld [smem:$0x3FFC];
	_ =	sdelay $0x3  }
0x94: {  	_ =	strace s3  }
0x95: {  	s3 =	sld [smem:$0x3FFD];
	_ =	sdelay $0x3  }
0x96: {  	_ =	strace s3  }
0x97: {  	_ =	strace $0x8FFFFFFF  }
0x98: {  	s19 =	sld [smem:$0x3FDB];
	_ =	sdelay $0x1  }
0x99: {  	s4 =	simm.s32 $_scs_section_size  }
0x9a: {  	s5 =	simm.s32 $_size__tile_overlayer_lowered;
	s6 =	simm.s32 $_tile_overlayer_lowered  }
0x9b: {  	s22 =	simm.s32 $0x1BFF;
	s21 =	sshll.u32 s6, $0x1;
	s3 =	sadd.s32 s4, s19  }
0x9c: {  	s7 =	simm.s32 $0x0;
	s20 =	sshll.u32 s5, $0x1;
	s5 =	sadd.s32 s21, s3  }
0x9d: {  	[timem:s7], [sflag:s22] =	dma.local [hbm:s5], s20  }
0x9e: {  	_ =	swait.ge [sflag:s22], s20  }
0x9f: {  	s4 =	ssub.s32 $0x0, s20;
	[sflag:s22] =	ssyncset.done $0x0  }
0xa0: {  	[sflag:s22] =	ssyncadd.s32 s4;
	_ =	sdelay $0x1  }
0xa1: {  	s23 =	simm.s32 $0x1B8B  }
0xa2: {  	_ =	swait.ge [sflag:s23], $0x1  }
0xa3: {  	[sflag:s23] =	ssyncset.done $0x0  }
0xa4: {  	s25 =	simm.s32 $0x1B8E;
	s24 =	sld [smem:$0x3FFE];
	[sflag:s23] =	ssyncadd.s32 $0xFFFFFFFF  }
0xa5: {  	s26 =	simm.s32 $execute0_lowered;
	[smem:$0x3FD2] =	sst s25  }
0xa6: {  	s5 =	sshll.u32 s26, $0x1;
	_ =	strace $0x80000046;
	[dreg:$0x1] =	wrdreg $0xFFFFFFFF  }
0xa7: {  	s28 =	simm.s32 $_size_execute0_lowered;
	s3 =	sadd.s32 s3, s5;
	[dreg:$0x0] =	wrdreg $0x0  }
0xa8: {  	s5 =	sshll.u32 s28, $0x1;
	[dreg:$0x2] =	wrdreg s3  }
0xa9: {  	[dreg:$0x3] =	wrdreg s5  }
0xaa: {  	[dreg:$0x4] =	wrdreg $0xC0  }
0xab: {  	_ =	task [dreg:s7], $0x5FFFF  }
0xac: {  	[dreg:$0x1] =	wrdreg $0xFFFFFFFF  }
0xad: {  	[dreg:$0x0] =	wrdreg $0x60  }
0xae: {  	[dreg:$0x2] =	wrdreg s24  }
0xaf: {  	[dreg:$0x3] =	wrdreg s2  }
0xb0: {  	[dreg:$0x4] =	wrdreg $0x9  }
0xb1: {  	_ =	task.clear_ibuf [dreg:s7], $0x5FFFF;
	_ =	strace $0x90000046  }
0xb2: {  	s29 =	simm.s32 $0x9;
	_ =	strace $0x80000048  }
0xb3: {  	_ =	swait.ge [sflag:s29], $0x1  }
0xb4: {  	[sflag:s29] =	ssyncadd.s32 $0xFFFFFFFF  }
0xb5: {  	_ =	strace $0x90000048  }
0xb6: {  	_ =	sfence  }
0xb7: {  	s30 =	sld [smem:$0x0];
	_ =	sdelay $0x2  }
0xb8: {  	s31 =	sshll.u32 s1, $0xD;
	s1 =	sshrl.u32 s1, $0x2  }
0xb9: {  	s3 =	sand.u32 $0x4000, s31;
	s1 =	sadd.s32 s1, s30  }
0xba: {  	s0 =	sor.u32 s3, s0;
	s1 =	sshll.u32 s1, $0x11  }
0xbb: {  	s0 =	sor.u32 s1, s0  }
0xbc: {  	s0 =	sadd.s32 $0x8F2B, s0  }
0xbd: {  	[sflag:s0] =	ssyncadd.remote.s32 $0x1  }
0xbe: {  	_ =	sfence.sel $0xFFFF  }
0xbf: {  	[dreg:$0x0] =	wrdreg $0xFFFFFFFF;
	(pc) =	sbr.abs _section_cstart, $3  }
0xc0: {  	[dreg:$0x1] =	wrdreg $0xFFFFFFFF  }
0xc1: {  	_ =	task.clear_ibuf [dreg:s7], $0x2FFFF;
	_ =	strace $0x9FFFFFFF  }
0xc2: {  	(tm) =	ssettm $0x7FFFFFFF  }
0xc3: {  	_ =	shalt  }
tec
execute0_lowered:
.L_overlay_start_1:
0x0: {  	(tag) =	ssettag $0x1  }
0x1: {  	s1 =	srdreg.scid;
	s0 =	stileid.u32  }
0x2: {  	s3 =	sand.u32 $0x1, s1;
	s26 =	sshll.u32 s0, $0x1  }
0x3: {  	s5 =	rddreg [dreg:$0x0];
	s4 =	sor.u32 s3, s26  }
0x4: {  	s8 =	rddreg [dreg:$0x1];
	s3 =	ssub.s32 $0x2, s3;
	s6 =	smul.u32 $0x3, s4  }
0x5: {  	s2 =	simm.s32 $0x0;
	s4 =	smul.u32 $0x180, s4;
	s11 =	sshrl.u32 s3, $0x1  }
0x6: {  	s1 =	rddreg [dreg:$0x2];
	s11 =	ssub.s32 s3, s11;
	s7 =	sshrl.u32 s6, $0x3  }
0x7: {  	s10 =	sshrl.u32 s4, $0x3;
	s28 =	sand.u32 $0x380, s4;
	s16 =	sand.u32 $0x7, s6  }
0x8: {  	s29 =	sadd.s32 $0x3A1, s6;
	s6 =	sadd.s32 $0x3A2, s6;
	s7 =	sadd.s32 $0x74, s7  }
0x9: {  	s10 =	sadd.s32 s10, s5;
	s30 =	sshrl.u32 s29, $0x3;
	s31 =	sshrl.u32 s6, $0x3  }
0xa: {  	s6 =	sshll.u32 s6, $0x7;
	s9 =	sadd.s32 s7, s5;
	s7 =	smul.u32 $0xC3800, s7  }
0xb: {  	p1 =	seq.s32 s16, $0x1;
	s3 =	sadd.s32 $0x200, s9;
	s9 =	smul.u32 $0xC3800, s31  }
0xc: {  	s5 =	sshll.u32 s29, $0x7;
	s4 =	sor.u32 s28, s7;
	s7 =	smul.u32 $0xC3800, s30  }
0xd: {  	s12 =	sand.u32 $0x380, s6;
	s5 =	sand.u32 $0x380, s5;
	s4 =	sshrl.u32 s4, $0x3  }
0xe: {  	s9 =	sor.u32 s12, s9;
	s4 =	sadd.s32 s8, s4;
	s7 =	sor.u32 s5, s7  }
0xf: {  	s5 =	sadd.s32 $0x400, s10;
	s9 =	sshrl.u32 s9, $0x3;
	s7 =	sshrl.u32 s7, $0x3  }
0x10: {  	s6 =	sadd.s32 s8, s7;
	s7 =	sadd.s32 $0x410, s10;
	s8 =	sadd.s32 s8, s9  }
0x11: {  	s9 =	sadd.s32 $0x420, s10;
	s10 =	smax.u32 s11, $0x1;
	s11 =	simm.s32 @!p1 $0x0  }
0x12: {  	[smem:$0x7FF] =	sst s2;
	s11 =	simm.s32 @p1 $0x1;
	p1 =	seq.s32 s16, $0x2  }
0x13: {  	_ =	strace $0x80000047;
	[smem:$0x7ED] =	sst s11;
	s11 =	simm.s32 @!p1 $0x0  }
0x14: {  	s11 =	simm.s32 @p1 $0x1;
	p1 =	seq.s32 s16, $0x3  }
0x15: {  	[smem:$0x7EE] =	sst s11;
	s11 =	simm.s32 @!p1 $0x0  }
0x16: {  	s11 =	simm.s32 @p1 $0x1;
	p1 =	seq.s32 s16, $0x4  }
0x17: {  	[smem:$0x7EF] =	sst s11;
	s11 =	simm.s32 @!p1 $0x0  }
0x18: {  	s11 =	simm.s32 @p1 $0x1;
	p1 =	seq.s32 s16, $0x5  }
0x19: {  	[smem:$0x7F0] =	sst s11;
	s11 =	simm.s32 @!p1 $0x0  }
0x1a: {  	s11 =	simm.s32 @p1 $0x1;
	p1 =	seq.s32 s16, $0x6  }
0x1b: {  	[smem:$0x7F1] =	sst s11;
	s11 =	simm.s32 @!p1 $0x0  }
0x1c: {  	s17 =	sadd.s32 $0x1, s16;
	s11 =	simm.s32 @p1 $0x1;
	p1 =	seq.s32 s16, $0x7  }
0x1d: {  	s18 =	sadd.s32 $0x2, s16;
	p0 =	seq.s32 s16, $0x0;
	s16 =	simm.s32 @!p1 $0x0  }
0x1e: {  	s16 =	simm.s32 @p1 $0x1;
	p1 =	seq.s32 s17, $0x2  }
0x1f: {  	[smem:$0x7F3] =	sst s16;
	s16 =	simm.s32 @!p1 $0x0  }
0x20: {  	s16 =	simm.s32 @p1 $0x1;
	p1 =	seq.s32 s17, $0x3  }
0x21: {  	[smem:$0x7F4] =	sst s16;
	s16 =	simm.s32 @!p1 $0x0  }
0x22: {  	s16 =	simm.s32 @p1 $0x1;
	p1 =	seq.s32 s17, $0x4  }
0x23: {  	[smem:$0x7F5] =	sst s16;
	s16 =	simm.s32 @!p1 $0x0  }
0x24: {  	s16 =	simm.s32 @p1 $0x1;
	p1 =	seq.s32 s17, $0x5  }
0x25: {  	[smem:$0x7F6] =	sst s16;
	s16 =	simm.s32 @!p1 $0x0  }
0x26: {  	s16 =	simm.s32 @p1 $0x1;
	p1 =	seq.s32 s17, $0x6  }
0x27: {  	[smem:$0x7F7] =	sst s16;
	s16 =	simm.s32 @!p1 $0x0  }
0x28: {  	s16 =	simm.s32 @p1 $0x1;
	p1 =	seq.s32 s17, $0x7  }
0x29: {  	[smem:$0x7F8] =	sst s16;
	s16 =	simm.s32 @!p1 $0x0  }
0x2a: {  	s16 =	simm.s32 @p1 $0x1;
	p1 =	seq.s32 s17, $0x8  }
0x2b: {  	[smem:$0x7F9] =	sst s16;
	s16 =	simm.s32 @!p1 $0x0  }
0x2c: {  	s13 =	simm.s32 $0x80;
	s16 =	simm.s32 @p1 $0x1;
	p1 =	seq.s32 s18, $0x3  }
0x2d: {  	s14 =	simm.s32 $0x18780;
	[smem:$0x7FA] =	sst s16;
	s16 =	simm.s32 @!p1 $0x0  }
0x2e: {  	s15 =	simm.s32 $0x0;
	s16 =	simm.s32 @p1 $0x1;
	p1 =	seq.s32 s18, $0x4  }
0x2f: {  	p6 =	seq.s32 s18, $0x6;
	[smem:$0x7FB] =	sst s16;
	s16 =	simm.s32 @!p1 $0x0  }
0x30: {  	p2 =	seq.s32 s18, $0x8;
	s16 =	simm.s32 @p1 $0x1;
	p1 =	seq.s32 s18, $0x5  }
0x31: {  	p3 =	seq.s32 s18, $0x9;
	[smem:$0x7FC] =	sst s16;
	s16 =	simm.s32 @!p1 $0x0  }
0x32: {  	s12 =	simm.s32 $0x400;
	[smem:$0x7F2] =	sst s11;
	s16 =	simm.s32 @p1 $0x1  }
0x33: {  	v0 =	vlaneseq.u32;
	v1 =	vimm.f32 $0.0e+00;
	s11 =	simm.s32 $0x1;
	p1 =	seq.s32 s18, $0x7;
	[smem:$0x7FD] =	sst s16  }
.LBB2_1:
0x34: {  	[tilespmem:s2], [sflag:$0x1] =	stream.linear.gather [hbm4b:s3+s2], $0x10, $0x38;
	[tilespmem:$0x18800] =	vst v63  }
0x35: {  	_ =	swait.ge [sflag:s11], $0x10  }
0x36: {  	[sflag:s11] =	ssyncset.done $0x0  }
0x37: {  	[sflag:s11] =	ssyncadd.s32 $0xFFFFFFF0  }
0x38: {  	v2 =	vld [tilespmem:$0x0];
	_ =	sdelay $0x4  }
0x39: {  	(v2sf) =	vpush v2, $0x7  }
0x3a: {  	(v2sf) =	vpush v2, $0x6  }
0x3b: {  	(v2sf) =	vpush v2, $0x5  }
0x3c: {  	(v2sf) =	vpush v2, $0x4  }
0x3d: {  	(v2sf) =	vpush v2, $0x3  }
0x3e: {  	(v2sf) =	vpush v2, $0x2  }
0x3f: {  	(v2sf) =	vpush v2, $0x1  }
0x40: {  	(v2sf) =	vpush v2, $0x0;
	_ =	sdelay $0x6  }
0x41: {  	[tilespmem:s13], [sflag:$0x1] =	stream.strided.gather [hbm4b:s4+s13], $0x18700, s12, s13, $0x38;
	[tilespmem:$0x18800] =	vst v63  }
0x42: {  	s16 =	spop (v2sf)  }
0x43: {  	s17 =	spop (v2sf)  }
0x44: {  	s18 =	spop (v2sf)  }
0x45: {  	s19 =	spop (v2sf)  }
0x46: {  	s20 =	spop (v2sf)  }
0x47: {  	s24 =	sld [smem:$0x7ED];
	s21 =	spop (v2sf)  }
0x48: {  	s22 =	spop (v2sf)  }
0x49: {  	s23 =	spop (v2sf)  }
0x4a: {  	s31 =	sld [smem:$0x7EE];
	p4 =	seq.s32 s24, $0x1;
	s23 =	simm.s32 @!p0 $0x0  }
0x4b: {  	s23 =	smov.u32 @p4 s22;
	s22 =	sld [smem:$0x7EF]  }
0x4c: {  	s24 =	sld [smem:$0x7F0]  }
0x4d: {  	s25 =	sld [smem:$0x7F1];
	p4 =	seq.s32 s31, $0x1  }
0x4e: {  	s26 =	sld [smem:$0x7F2];
	s23 =	smov.u32 @p4 s21;
	p4 =	seq.s32 s22, $0x1  }
0x4f: {  	s28 =	sld [smem:$0x7F3];
	s23 =	smov.u32 @p4 s20;
	p4 =	seq.s32 s24, $0x1  }
0x50: {  	s23 =	smov.u32 @p4 s19;
	p4 =	seq.s32 s25, $0x1  }
0x51: {  	s23 =	smov.u32 @p4 s18;
	p4 =	seq.s32 s26, $0x1  }
0x52: {  	s23 =	smov.u32 @p4 s17;
	p4 =	seq.s32 s28, $0x1  }
0x53: {  	s23 =	smov.u32 @p4 s16  }
0x54: {  	p4 =	sgt.s32 s23, $0x0;
	s16 =	smov.u32 s23  }
0x55: {  	s16 =	simm.s32 @!p4 $0x0  }
0x56: {  	s29 =	smin.u32 s16, $0x1869F  }
0x57: {  	s16 =	sand.u32 $0xF, s29  }
0x58: {  	p4 =	slt.s32 s23, $0x1;
	p5 =	sne.s32 s16, $0x0  }
0x59: {  	p4 =	por !p4, !p5  }
0x5a: {  	s16 =	simm.s32 $0x1;
	p4 =	por !p4, !p4  }
0x5b: {  	_ =	swait.ge [sflag:s11], $0x18700;
	s30 =	sshrl.u32 s29, $0x4;
	s16 =	simm.s32 @!p4 $0x0  }
0x5c: {  	[sflag:s11] =	ssyncset.done $0x0;
	s16 =	ssub.s32 s30, s16  }
0x5d: {  	[sflag:s11] =	ssyncadd.s32 $0xFFFE7900;
	s18 =	sshll.u32 s16, $0x4  }
0x5e: {  	v3 =	vld [tilespmem:s18+$0x80];
	_ =	sdelay $0x4  }
0x5f: {  	(v2sf) =	vpush v3, $0x0  }
0x60: {  	(v2sf) =	vpush v3, $0x1;
	_ =	sdelay $0x1  }
0x61: {  	(v2sf) =	vpush v3, $0x2  }
0x62: {  	(v2sf) =	vpush v3, $0x3  }
0x63: {  	(v2sf) =	vpush v3, $0x4  }
0x64: {  	(v2sf) =	vpush v3, $0x5  }
0x65: {  	(v2sf) =	vpush v3, $0x6  }
0x66: {  	(v2sf) =	vpush v3, $0x7  }
0x67: {  	(v2sf) =	vpush v3, $0x8  }
0x68: {  	(v2sf) =	vpush v3, $0x9  }
0x69: {  	(v2sf) =	vpush v3, $0xA  }
0x6a: {  	(v2sf) =	vpush v3, $0xB  }
0x6b: {  	(v2sf) =	vpush v3, $0xC  }
0x6c: {  	(v2sf) =	vpush v3, $0xD  }
0x6d: {  	s19 =	spop (v2sf);
	(v2sf) =	vpush v3, $0xE  }
0x6e: {  	s31 =	ssub.s32 s29, s18;
	p4 =	seq.s32 s29, s18;
	s21 =	spop (v2sf);
	(v2sf) =	vpush v3, $0xF  }
0x6f: {  	s25 =	simm.s32 $0xC0;
	s19 =	simm.s32 @!p4 $0x0;
	p4 =	seq.s32 s31, $0x1  }
0x70: {  	s22 =	spop (v2sf);
	s19 =	smov.u32 @p4 s21;
	p4 =	seq.s32 s31, $0x2  }
0x71: {  	s23 =	spop (v2sf);
	s19 =	smov.u32 @p4 s22;
	p4 =	seq.s32 s31, $0x3  }
0x72: {  	s21 =	spop (v2sf);
	s19 =	smov.u32 @p4 s23;
	p4 =	seq.s32 s31, $0x4  }
0x73: {  	s22 =	spop (v2sf);
	s19 =	smov.u32 @p4 s21;
	p4 =	seq.s32 s31, $0x5  }
0x74: {  	s23 =	spop (v2sf);
	s19 =	smov.u32 @p4 s22;
	p4 =	seq.s32 s31, $0x6  }
0x75: {  	s21 =	spop (v2sf);
	s19 =	smov.u32 @p4 s23;
	p4 =	seq.s32 s31, $0x7  }
0x76: {  	s22 =	spop (v2sf);
	s19 =	smov.u32 @p4 s21;
	p4 =	seq.s32 s31, $0x8  }
0x77: {  	s23 =	spop (v2sf);
	s19 =	smov.u32 @p4 s22;
	p4 =	seq.s32 s31, $0x9  }
0x78: {  	s21 =	spop (v2sf);
	s19 =	smov.u32 @p4 s23;
	p4 =	seq.s32 s31, $0xA  }
0x79: {  	s22 =	spop (v2sf);
	s19 =	smov.u32 @p4 s21;
	p4 =	seq.s32 s31, $0xB  }
0x7a: {  	s23 =	spop (v2sf);
	s19 =	smov.u32 @p4 s22;
	p4 =	seq.s32 s31, $0xC  }
0x7b: {  	v4 =	vld [tilespmem:s25+$0xFFFFFFC0];
	v2 =	vmov s18;
	s21 =	spop (v2sf);
	s19 =	smov.u32 @p4 s23;
	p4 =	seq.s32 s31, $0xD  }
0x7c: {  	v5 =	vmov s29;
	v2 =	vbroadcast v2, $0x0;
	s19 =	smov.u32 @p4 s21;
	p4 =	seq.s32 s31, $0xE;
	s18 =	spop (v2sf)  }
0x7d: {  	v5 =	vbroadcast v5, $0x0;
	s19 =	smov.u32 @p4 s18;
	p4 =	seq.s32 s31, $0xF;
	s17 =	spop (v2sf)  }
0x7e: {  	v6 =	vor.u32 v0, v2;
	s19 =	smov.u32 @p4 s17  }
0x7f: {  	vm1 =	vlt.s32 v6, v5;
	v2 =	vmov s19;
	vm0 =	veq.f32 v3, s19;
	v3 =	vld [tilespmem:s25+$0xFFFFFFD0]  }
0x80: {  	p4 =	sgt.s32 s16, $0x0;
	s17 =	simm.f32 $1.000000000e+00;
	vm0 =	vmand vm0, vm1;
	vm1 =	vgt.f32 v4, v2  }
0x81: {  	s17 =	simm.s32 @!p4 $0x0;
	v5 =	vsel vm0, $0x3F800000, v1;
	v6 =	vsel vm1, $0x3F800000, v1  }
0x82: {  	vm0 =	veq.f32 v4, v2;
	v4 =	vmov s17;
	v5 =	vadd.f32 v6, v5  }
0x83: {  	s17 =	sadd.s32 $0xFFFFFFFF, s16;
	v4 =	vnsel vm0, $0x0, v4;
	v6 =	vld [tilespmem:s25+$0xFFFFFFE0]  }
0x84: {  	s18 =	simm.f32 $1.000000000e+00;
	p4 =	sgt.s32 s17, $0x0;
	v4 =	vadd.f32 v5, v4;
	vm0 =	vgt.f32 v3, v2  }
0x85: {  	s18 =	simm.s32 @!p4 $0x0;
	v5 =	vsel vm0, $0x3F800000, v1  }
0x86: {  	vm0 =	veq.f32 v3, v2;
	v3 =	vmov s18;
	v4 =	vadd.f32 v4, v5  }
0x87: {  	s18 =	sadd.s32 $0xFFFFFFFE, s16;
	v3 =	vnsel vm0, $0x0, v3;
	v5 =	vld [tilespmem:s25+$0xFFFFFFF0]  }
0x88: {  	s19 =	simm.f32 $1.000000000e+00;
	p4 =	sgt.s32 s18, $0x0;
	vm0 =	vgt.f32 v6, v2;
	v3 =	vadd.f32 v4, v3  }
0x89: {  	s19 =	simm.s32 @!p4 $0x0;
	v4 =	vsel vm0, $0x3F800000, v1  }
0x8a: {  	vm0 =	veq.f32 v6, v2;
	v3 =	vadd.f32 v3, v4;
	v4 =	vmov s19  }
0x8b: {  	v6 =	vld [tilespmem:s25+$0x0];
	s19 =	sadd.s32 $0xFFFFFFFD, s16;
	v4 =	vnsel vm0, $0x0, v4  }
0x8c: {  	s20 =	simm.f32 $1.000000000e+00;
	p4 =	sgt.s32 s19, $0x0;
	vm0 =	vgt.f32 v5, v2;
	v3 =	vadd.f32 v3, v4  }
0x8d: {  	s20 =	simm.s32 @!p4 $0x0;
	v4 =	vsel vm0, $0x3F800000, v1  }
0x8e: {  	vm0 =	veq.f32 v5, v2;
	v3 =	vadd.f32 v3, v4;
	v4 =	vmov s20  }
0x8f: {  	v5 =	vld [tilespmem:s25+$0x10];
	s20 =	sadd.s32 $0xFFFFFFFC, s16;
	v4 =	vnsel vm0, $0x0, v4  }
0x90: {  	s21 =	simm.f32 $1.000000000e+00;
	p4 =	sgt.s32 s20, $0x0;
	vm0 =	vgt.f32 v6, v2;
	v3 =	vadd.f32 v3, v4  }
0x91: {  	s21 =	simm.s32 @!p4 $0x0;
	v4 =	vsel vm0, $0x3F800000, v1  }
0x92: {  	vm0 =	veq.f32 v6, v2;
	v3 =	vadd.f32 v3, v4;
	v4 =	vmov s21  }
0x93: {  	s21 =	sadd.s32 $0xFFFFFFFB, s16;
	v4 =	vnsel vm0, $0x0, v4  }
0x94: {  	s22 =	simm.f32 $1.000000000e+00;
	v6 =	vld [tilespmem:s25+$0x20];
	p4 =	sgt.s32 s21, $0x0;
	vm0 =	vgt.f32 v5, v2;
	v3 =	vadd.f32 v3, v4  }
0x95: {  	s22 =	simm.s32 @!p4 $0x0;
	v4 =	vsel vm0, $0x3F800000, v1  }
0x96: {  	vm0 =	veq.f32 v5, v2;
	v3 =	vadd.f32 v3, v4;
	v4 =	vmov s22  }
0x97: {  	v4 =	vnsel vm0, $0x0, v4  }
0x98: {  	s22 =	sadd.s32 $0xFFFFFFFA, s16;
	v4 =	vadd.f32 v3, v4;
	v3 =	vld [tilespmem:s25+$0x30]  }
0x99: {  	s26 =	simm.f32 $1.000000000e+00;
	p4 =	sgt.s32 s22, $0x0;
	vm0 =	vgt.f32 v6, v2  }
0x9a: {  	s26 =	simm.s32 @!p4 $0x0;
	v5 =	vsel vm0, $0x3F800000, v1  }
0x9b: {  	s24 =	simm.s32 $0x0;
	s23 =	sadd.s32 $0xFFFFFFF9, s16;
	vm0 =	veq.f32 v6, v2;
	s25 =	simm.s32 $0x140;
	v4 =	vadd.f32 v4, v5;
	v5 =	vmov s26  }
.LBB2_2:
0x9c: {  	v6 =	vld [tilespmem:s25+$0xFFFFFFC0];
	v5 =	vnsel vm0, $0x0, v5  }
0x9d: {  	p4 =	slt.s32 s24, s23;
	s26 =	simm.f32 $1.000000000e+00;
	v4 =	vadd.f32 v4, v5;
	vm0 =	vgt.f32 v3, v2  }
0x9e: {  	s26 =	simm.s32 @!p4 $0x0;
	v5 =	vsel vm0, $0x3F800000, v1  }
0x9f: {  	vm0 =	veq.f32 v3, v2;
	v3 =	vmov s26;
	v4 =	vadd.f32 v4, v5  }
0xa0: {  	s24 =	sadd.s32 $0x8, s24;
	v3 =	vnsel vm0, $0x0, v3;
	v5 =	vld [tilespmem:s25+$0xFFFFFFD0]  }
0xa1: {  	p5 =	slt.s32 s24, s16;
	p4 =	slt.u32 s24, $0x1860;
	s26 =	simm.f32 $1.000000000e+00;
	vm0 =	vgt.f32 v6, v2;
	v3 =	vadd.f32 v4, v3  }
0xa2: {  	s26 =	simm.s32 @!p5 $0x0;
	v4 =	vsel vm0, $0x3F800000, v1  }
0xa3: {  	vm0 =	veq.f32 v6, v2;
	v3 =	vadd.f32 v4, v3;
	v4 =	vmov s26  }
0xa4: {  	v4 =	vnsel vm0, $0x0, v4;
	v6 =	vld [tilespmem:s25+$0xFFFFFFE0]  }
0xa5: {  	p5 =	slt.s32 s24, s17;
	s26 =	simm.f32 $1.000000000e+00;
	v3 =	vadd.f32 v3, v4;
	vm0 =	vgt.f32 v5, v2  }
0xa6: {  	s26 =	simm.s32 @!p5 $0x0;
	v4 =	vsel vm0, $0x3F800000, v1  }
0xa7: {  	vm0 =	veq.f32 v5, v2;
	v3 =	vadd.f32 v3, v4;
	v4 =	vmov s26  }
0xa8: {  	v4 =	vnsel vm0, $0x0, v4;
	v5 =	vld [tilespmem:s25+$0xFFFFFFF0]  }
0xa9: {  	p5 =	slt.s32 s24, s18;
	s26 =	simm.f32 $1.000000000e+00;
	v3 =	vadd.f32 v3, v4;
	vm0 =	vgt.f32 v6, v2  }
0xaa: {  	s26 =	simm.s32 @!p5 $0x0;
	v4 =	vsel vm0, $0x3F800000, v1  }
0xab: {  	vm0 =	veq.f32 v6, v2;
	v3 =	vadd.f32 v3, v4;
	v4 =	vmov s26  }
0xac: {  	v4 =	vnsel vm0, $0x0, v4;
	v6 =	vld [tilespmem:s25+$0x0]  }
0xad: {  	p5 =	slt.s32 s24, s19;
	s26 =	simm.f32 $1.000000000e+00;
	v3 =	vadd.f32 v3, v4;
	vm0 =	vgt.f32 v5, v2  }
0xae: {  	s26 =	simm.s32 @!p5 $0x0;
	v4 =	vsel vm0, $0x3F800000, v1  }
0xaf: {  	vm0 =	veq.f32 v5, v2;
	v3 =	vadd.f32 v3, v4;
	v4 =	vmov s26  }
0xb0: {  	v4 =	vnsel vm0, $0x0, v4;
	v5 =	vld [tilespmem:s25+$0x10]  }
0xb1: {  	p5 =	slt.s32 s24, s20;
	s26 =	simm.f32 $1.000000000e+00;
	v3 =	vadd.f32 v3, v4;
	vm0 =	vgt.f32 v6, v2  }
0xb2: {  	s26 =	simm.s32 @!p5 $0x0;
	v4 =	vsel vm0, $0x3F800000, v1  }
0xb3: {  	vm0 =	veq.f32 v6, v2;
	v3 =	vadd.f32 v3, v4;
	v4 =	vmov s26  }
0xb4: {  	v4 =	vnsel vm0, $0x0, v4;
	v6 =	vld [tilespmem:s25+$0x20]  }
0xb5: {  	p5 =	slt.s32 s24, s21;
	s26 =	simm.f32 $1.000000000e+00;
	v3 =	vadd.f32 v3, v4;
	vm0 =	vgt.f32 v5, v2  }
0xb6: {  	s26 =	simm.s32 @!p5 $0x0;
	v4 =	vsel vm0, $0x3F800000, v1  }
.Ltmp0:
0xb7: {  	vm0 =	veq.f32 v5, v2;
	v4 =	vadd.f32 v3, v4;
	v3 =	vmov s26;
	(pc) =	sbr.rel @p4 .LBB2_2-.Ltmp0, $4  }
0xb8: {  	v5 =	vnsel vm0, $0x0, v3;
	v3 =	vld [tilespmem:s25+$0x30]  }
0xb9: {  	p5 =	slt.s32 s24, s22;
	s26 =	simm.f32 $1.000000000e+00;
	v4 =	vadd.f32 v4, v5;
	vm0 =	vgt.f32 v6, v2  }
0xba: {  	s26 =	simm.s32 @!p5 $0x0;
	v5 =	vsel vm0, $0x3F800000, v1  }
0xbb: {  	s25 =	sadd.s32 $0x80, s25;
	vm0 =	veq.f32 v6, v2;
	v4 =	vadd.f32 v4, v5;
	v5 =	vmov s26  }
0xbc: {  	v5 =	vnsel vm0, $0x0, v5;
	v6 =	vld [tilespmem:$0x18700]  }
0xbd: {  	p4 =	slt.s32 s24, s23;
	s17 =	simm.f32 $1.000000000e+00;
	v4 =	vadd.f32 v4, v5;
	vm0 =	vgt.f32 v3, v2  }
0xbe: {  	s17 =	simm.s32 @!p4 $0x0;
	v5 =	vsel vm0, $0x3F800000, v1  }
0xbf: {  	vm0 =	veq.f32 v3, v2;
	v3 =	vmov s17;
	v4 =	vadd.f32 v4, v5  }
0xc0: {  	v3 =	vnsel vm0, $0x0, v3;
	v5 =	vld [tilespmem:$0x18710]  }
0xc1: {  	p4 =	sgt.s32 s16, $0x1868;
	s16 =	simm.f32 $1.000000000e+00;
	v3 =	vadd.f32 v4, v3;
	vm0 =	vgt.f32 v6, v2  }
0xc2: {  	s16 =	simm.s32 @!p4 $0x0;
	v4 =	vsel vm0, $0x3F800000, v1  }
0xc3: {  	vm0 =	veq.f32 v6, v2;
	v3 =	vadd.f32 v4, v3;
	v4 =	vmov s16  }
0xc4: {  	v4 =	vnsel vm0, $0x0, v4  }
0xc5: {  	vm0 =	vgt.f32 v5, v2;
	v3 =	vadd.f32 v3, v4  }
0xc6: {  	v2 =	vsel vm0, $0x3F800000, v1  }
0xc7: {  	v2 =	vadd.f32 v3, v2;
	_ =	sdelay $0x1  }
0xc8: {  	[tilespmem:$0x18780] =	vst v2  }
0xc9: {  	[hbm4b:s5+s2] =	stream.linear.scatter [tilespmem:s14], [sflag:$0x1], $0x80, $0x38;
	[tilespmem:$0x18800] =	vst v63  }
0xca: {  	_ =	swait.ge [sflag:s11], $0x80  }
0xcb: {  	[sflag:s11] =	ssyncset.done $0x0  }
0xcc: {  	[sflag:s11] =	ssyncadd.s32 $0xFFFFFF80  }
0xcd: {  	v2 =	vld [tilespmem:$0x0];
	_ =	sdelay $0x4  }
0xce: {  	(v2sf) =	vpush v2, $0x8  }
0xcf: {  	(v2sf) =	vpush v2, $0x7  }
0xd0: {  	(v2sf) =	vpush v2, $0x6  }
0xd1: {  	(v2sf) =	vpush v2, $0x5  }
0xd2: {  	(v2sf) =	vpush v2, $0x4  }
0xd3: {  	(v2sf) =	vpush v2, $0x3  }
0xd4: {  	(v2sf) =	vpush v2, $0x2  }
0xd5: {  	(v2sf) =	vpush v2, $0x1;
	_ =	sdelay $0x7  }
0xd6: {  	s16 =	spop (v2sf)  }
0xd7: {  	s17 =	spop (v2sf)  }
0xd8: {  	s18 =	spop (v2sf)  }
0xd9: {  	s19 =	spop (v2sf)  }
0xda: {  	s20 =	spop (v2sf)  }
0xdb: {  	s30 =	sld [smem:$0x7F4];
	s21 =	spop (v2sf)  }
0xdc: {  	s22 =	spop (v2sf)  }
0xdd: {  	s31 =	sld [smem:$0x7F5];
	s23 =	spop (v2sf)  }
0xde: {  	s24 =	sld [smem:$0x7F7];
	p4 =	seq.s32 s30, $0x1;
	s23 =	simm.s32 @!p0 $0x0  }
0xdf: {  	s23 =	smov.u32 @p4 s22;
	s22 =	sld [smem:$0x7F6]  }
0xe0: {  	[tilespmem:s13], [sflag:$0x1] =	stream.strided.gather [hbm4b:s6+s13], $0x18700, s12, s13, $0x38;
	[tilespmem:$0x18800] =	vst v63  }
0xe1: {  	s25 =	sld [smem:$0x7F8];
	p4 =	seq.s32 s31, $0x1  }
0xe2: {  	s26 =	sld [smem:$0x7F9];
	s23 =	smov.u32 @p4 s21;
	p4 =	seq.s32 s22, $0x1  }
0xe3: {  	s28 =	sld [smem:$0x7FA];
	s23 =	smov.u32 @p4 s20;
	p4 =	seq.s32 s24, $0x1  }
0xe4: {  	s23 =	smov.u32 @p4 s19;
	p4 =	seq.s32 s25, $0x1  }
0xe5: {  	s23 =	smov.u32 @p4 s18;
	p4 =	seq.s32 s26, $0x1  }
0xe6: {  	s23 =	smov.u32 @p4 s17;
	p4 =	seq.s32 s28, $0x1  }
0xe7: {  	s23 =	smov.u32 @p4 s16  }
0xe8: {  	p4 =	sgt.s32 s23, $0x0;
	s16 =	smov.u32 s23  }
0xe9: {  	s16 =	simm.s32 @!p4 $0x0  }
0xea: {  	s29 =	smin.u32 s16, $0x1869F  }
0xeb: {  	s16 =	sand.u32 $0xF, s29  }
0xec: {  	p4 =	slt.s32 s23, $0x1;
	p5 =	sne.s32 s16, $0x0  }
0xed: {  	p4 =	por !p4, !p5  }
0xee: {  	s16 =	simm.s32 $0x1;
	p4 =	por !p4, !p4  }
0xef: {  	_ =	swait.ge [sflag:s11], $0x18700;
	s30 =	sshrl.u32 s29, $0x4;
	s16 =	simm.s32 @!p4 $0x0  }
0xf0: {  	[sflag:s11] =	ssyncset.done $0x0;
	s16 =	ssub.s32 s30, s16  }
0xf1: {  	[sflag:s11] =	ssyncadd.s32 $0xFFFE7900;
	s18 =	sshll.u32 s16, $0x4  }
0xf2: {  	v3 =	vld [tilespmem:s18+$0x80];
	_ =	sdelay $0x4  }
0xf3: {  	(v2sf) =	vpush v3, $0x0  }
0xf4: {  	(v2sf) =	vpush v3, $0x1;
	_ =	sdelay $0x1  }
0xf5: {  	(v2sf) =	vpush v3, $0x2  }
0xf6: {  	(v2sf) =	vpush v3, $0x3  }
0xf7: {  	(v2sf) =	vpush v3, $0x4  }
0xf8: {  	(v2sf) =	vpush v3, $0x5  }
0xf9: {  	(v2sf) =	vpush v3, $0x6  }
0xfa: {  	(v2sf) =	vpush v3, $0x7  }
0xfb: {  	(v2sf) =	vpush v3, $0x8  }
0xfc: {  	(v2sf) =	vpush v3, $0x9  }
0xfd: {  	(v2sf) =	vpush v3, $0xA  }
0xfe: {  	(v2sf) =	vpush v3, $0xB  }
0xff: {  	(v2sf) =	vpush v3, $0xC  }
0x100: {  	(v2sf) =	vpush v3, $0xD  }
0x101: {  	s19 =	spop (v2sf);
	(v2sf) =	vpush v3, $0xE  }
0x102: {  	s31 =	ssub.s32 s29, s18;
	p4 =	seq.s32 s29, s18;
	s21 =	spop (v2sf);
	(v2sf) =	vpush v3, $0xF  }
0x103: {  	s25 =	simm.s32 $0xC0;
	s19 =	simm.s32 @!p4 $0x0;
	p4 =	seq.s32 s31, $0x1  }
0x104: {  	s22 =	spop (v2sf);
	s19 =	smov.u32 @p4 s21;
	p4 =	seq.s32 s31, $0x2  }
0x105: {  	s23 =	spop (v2sf);
	s19 =	smov.u32 @p4 s22;
	p4 =	seq.s32 s31, $0x3  }
0x106: {  	s21 =	spop (v2sf);
	s19 =	smov.u32 @p4 s23;
	p4 =	seq.s32 s31, $0x4  }
0x107: {  	s22 =	spop (v2sf);
	s19 =	smov.u32 @p4 s21;
	p4 =	seq.s32 s31, $0x5  }
0x108: {  	s23 =	spop (v2sf);
	s19 =	smov.u32 @p4 s22;
	p4 =	seq.s32 s31, $0x6  }
0x109: {  	s21 =	spop (v2sf);
	s19 =	smov.u32 @p4 s23;
	p4 =	seq.s32 s31, $0x7  }
0x10a: {  	s22 =	spop (v2sf);
	s19 =	smov.u32 @p4 s21;
	p4 =	seq.s32 s31, $0x8  }
0x10b: {  	s23 =	spop (v2sf);
	s19 =	smov.u32 @p4 s22;
	p4 =	seq.s32 s31, $0x9  }
0x10c: {  	s21 =	spop (v2sf);
	s19 =	smov.u32 @p4 s23;
	p4 =	seq.s32 s31, $0xA  }
0x10d: {  	s22 =	spop (v2sf);
	s19 =	smov.u32 @p4 s21;
	p4 =	seq.s32 s31, $0xB  }
0x10e: {  	s23 =	spop (v2sf);
	s19 =	smov.u32 @p4 s22;
	p4 =	seq.s32 s31, $0xC  }
0x10f: {  	v4 =	vld [tilespmem:s25+$0xFFFFFFC0];
	v2 =	vmov s18;
	s21 =	spop (v2sf);
	s19 =	smov.u32 @p4 s23;
	p4 =	seq.s32 s31, $0xD  }
0x110: {  	v5 =	vmov s29;
	v2 =	vbroadcast v2, $0x0;
	s19 =	smov.u32 @p4 s21;
	p4 =	seq.s32 s31, $0xE;
	s18 =	spop (v2sf)  }
0x111: {  	v5 =	vbroadcast v5, $0x0;
	s19 =	smov.u32 @p4 s18;
	p4 =	seq.s32 s31, $0xF;
	s17 =	spop (v2sf)  }
0x112: {  	v6 =	vor.u32 v0, v2;
	s19 =	smov.u32 @p4 s17  }
0x113: {  	vm1 =	vlt.s32 v6, v5;
	v2 =	vmov s19;
	vm0 =	veq.f32 v3, s19;
	v3 =	vld [tilespmem:s25+$0xFFFFFFD0]  }
0x114: {  	p4 =	sgt.s32 s16, $0x0;
	s17 =	simm.f32 $1.000000000e+00;
	vm0 =	vmand vm0, vm1;
	vm1 =	vgt.f32 v4, v2  }
0x115: {  	s17 =	simm.s32 @!p4 $0x0;
	v5 =	vsel vm0, $0x3F800000, v1;
	v6 =	vsel vm1, $0x3F800000, v1  }
0x116: {  	vm0 =	veq.f32 v4, v2;
	v4 =	vmov s17;
	v5 =	vadd.f32 v6, v5  }
0x117: {  	s17 =	sadd.s32 $0xFFFFFFFF, s16;
	v4 =	vnsel vm0, $0x0, v4;
	v6 =	vld [tilespmem:s25+$0xFFFFFFE0]  }
0x118: {  	s18 =	simm.f32 $1.000000000e+00;
	p4 =	sgt.s32 s17, $0x0;
	v4 =	vadd.f32 v5, v4;
	vm0 =	vgt.f32 v3, v2  }
0x119: {  	s18 =	simm.s32 @!p4 $0x0;
	v5 =	vsel vm0, $0x3F800000, v1  }
0x11a: {  	vm0 =	veq.f32 v3, v2;
	v3 =	vmov s18;
	v4 =	vadd.f32 v4, v5  }
0x11b: {  	s18 =	sadd.s32 $0xFFFFFFFE, s16;
	v3 =	vnsel vm0, $0x0, v3;
	v5 =	vld [tilespmem:s25+$0xFFFFFFF0]  }
0x11c: {  	s19 =	simm.f32 $1.000000000e+00;
	p4 =	sgt.s32 s18, $0x0;
	vm0 =	vgt.f32 v6, v2;
	v3 =	vadd.f32 v4, v3  }
0x11d: {  	s19 =	simm.s32 @!p4 $0x0;
	v4 =	vsel vm0, $0x3F800000, v1  }
0x11e: {  	vm0 =	veq.f32 v6, v2;
	v3 =	vadd.f32 v3, v4;
	v4 =	vmov s19  }
0x11f: {  	v6 =	vld [tilespmem:s25+$0x0];
	s19 =	sadd.s32 $0xFFFFFFFD, s16;
	v4 =	vnsel vm0, $0x0, v4  }
0x120: {  	s20 =	simm.f32 $1.000000000e+00;
	p4 =	sgt.s32 s19, $0x0;
	vm0 =	vgt.f32 v5, v2;
	v3 =	vadd.f32 v3, v4  }
0x121: {  	s20 =	simm.s32 @!p4 $0x0;
	v4 =	vsel vm0, $0x3F800000, v1  }
0x122: {  	vm0 =	veq.f32 v5, v2;
	v3 =	vadd.f32 v3, v4;
	v4 =	vmov s20  }
0x123: {  	v5 =	vld [tilespmem:s25+$0x10];
	s20 =	sadd.s32 $0xFFFFFFFC, s16;
	v4 =	vnsel vm0, $0x0, v4  }
0x124: {  	s21 =	simm.f32 $1.000000000e+00;
	p4 =	sgt.s32 s20, $0x0;
	vm0 =	vgt.f32 v6, v2;
	v3 =	vadd.f32 v3, v4  }
0x125: {  	s21 =	simm.s32 @!p4 $0x0;
	v4 =	vsel vm0, $0x3F800000, v1  }
0x126: {  	vm0 =	veq.f32 v6, v2;
	v3 =	vadd.f32 v3, v4;
	v4 =	vmov s21  }
0x127: {  	s21 =	sadd.s32 $0xFFFFFFFB, s16;
	v4 =	vnsel vm0, $0x0, v4  }
0x128: {  	s22 =	simm.f32 $1.000000000e+00;
	v6 =	vld [tilespmem:s25+$0x20];
	p4 =	sgt.s32 s21, $0x0;
	vm0 =	vgt.f32 v5, v2;
	v3 =	vadd.f32 v3, v4  }
0x129: {  	s22 =	simm.s32 @!p4 $0x0;
	v4 =	vsel vm0, $0x3F800000, v1  }
0x12a: {  	vm0 =	veq.f32 v5, v2;
	v3 =	vadd.f32 v3, v4;
	v4 =	vmov s22  }
0x12b: {  	v4 =	vnsel vm0, $0x0, v4  }
0x12c: {  	s22 =	sadd.s32 $0xFFFFFFFA, s16;
	v4 =	vadd.f32 v3, v4;
	v3 =	vld [tilespmem:s25+$0x30]  }
0x12d: {  	s26 =	simm.f32 $1.000000000e+00;
	p4 =	sgt.s32 s22, $0x0;
	vm0 =	vgt.f32 v6, v2  }
0x12e: {  	s26 =	simm.s32 @!p4 $0x0;
	v5 =	vsel vm0, $0x3F800000, v1  }
0x12f: {  	s24 =	simm.s32 $0x0;
	s23 =	sadd.s32 $0xFFFFFFF9, s16;
	vm0 =	veq.f32 v6, v2;
	s25 =	simm.s32 $0x140;
	v4 =	vadd.f32 v4, v5;
	v5 =	vmov s26  }
.LBB2_4:
0x130: {  	v6 =	vld [tilespmem:s25+$0xFFFFFFC0];
	v5 =	vnsel vm0, $0x0, v5  }
0x131: {  	p4 =	slt.s32 s24, s23;
	s26 =	simm.f32 $1.000000000e+00;
	v4 =	vadd.f32 v4, v5;
	vm0 =	vgt.f32 v3, v2  }
0x132: {  	s26 =	simm.s32 @!p4 $0x0;
	v5 =	vsel vm0, $0x3F800000, v1  }
0x133: {  	vm0 =	veq.f32 v3, v2;
	v3 =	vmov s26;
	v4 =	vadd.f32 v4, v5  }
0x134: {  	s24 =	sadd.s32 $0x8, s24;
	v3 =	vnsel vm0, $0x0, v3;
	v5 =	vld [tilespmem:s25+$0xFFFFFFD0]  }
0x135: {  	p5 =	slt.s32 s24, s16;
	p4 =	slt.u32 s24, $0x1860;
	s26 =	simm.f32 $1.000000000e+00;
	vm0 =	vgt.f32 v6, v2;
	v3 =	vadd.f32 v4, v3  }
0x136: {  	s26 =	simm.s32 @!p5 $0x0;
	v4 =	vsel vm0, $0x3F800000, v1  }
0x137: {  	vm0 =	veq.f32 v6, v2;
	v3 =	vadd.f32 v4, v3;
	v4 =	vmov s26  }
0x138: {  	v4 =	vnsel vm0, $0x0, v4;
	v6 =	vld [tilespmem:s25+$0xFFFFFFE0]  }
0x139: {  	p5 =	slt.s32 s24, s17;
	s26 =	simm.f32 $1.000000000e+00;
	v3 =	vadd.f32 v3, v4;
	vm0 =	vgt.f32 v5, v2  }
0x13a: {  	s26 =	simm.s32 @!p5 $0x0;
	v4 =	vsel vm0, $0x3F800000, v1  }
0x13b: {  	vm0 =	veq.f32 v5, v2;
	v3 =	vadd.f32 v3, v4;
	v4 =	vmov s26  }
0x13c: {  	v4 =	vnsel vm0, $0x0, v4;
	v5 =	vld [tilespmem:s25+$0xFFFFFFF0]  }
0x13d: {  	p5 =	slt.s32 s24, s18;
	s26 =	simm.f32 $1.000000000e+00;
	v3 =	vadd.f32 v3, v4;
	vm0 =	vgt.f32 v6, v2  }
0x13e: {  	s26 =	simm.s32 @!p5 $0x0;
	v4 =	vsel vm0, $0x3F800000, v1  }
0x13f: {  	vm0 =	veq.f32 v6, v2;
	v3 =	vadd.f32 v3, v4;
	v4 =	vmov s26  }
0x140: {  	v4 =	vnsel vm0, $0x0, v4;
	v6 =	vld [tilespmem:s25+$0x0]  }
0x141: {  	p5 =	slt.s32 s24, s19;
	s26 =	simm.f32 $1.000000000e+00;
	v3 =	vadd.f32 v3, v4;
	vm0 =	vgt.f32 v5, v2  }
0x142: {  	s26 =	simm.s32 @!p5 $0x0;
	v4 =	vsel vm0, $0x3F800000, v1  }
0x143: {  	vm0 =	veq.f32 v5, v2;
	v3 =	vadd.f32 v3, v4;
	v4 =	vmov s26  }
0x144: {  	v4 =	vnsel vm0, $0x0, v4;
	v5 =	vld [tilespmem:s25+$0x10]  }
0x145: {  	p5 =	slt.s32 s24, s20;
	s26 =	simm.f32 $1.000000000e+00;
	v3 =	vadd.f32 v3, v4;
	vm0 =	vgt.f32 v6, v2  }
0x146: {  	s26 =	simm.s32 @!p5 $0x0;
	v4 =	vsel vm0, $0x3F800000, v1  }
0x147: {  	vm0 =	veq.f32 v6, v2;
	v3 =	vadd.f32 v3, v4;
	v4 =	vmov s26  }
0x148: {  	v4 =	vnsel vm0, $0x0, v4;
	v6 =	vld [tilespmem:s25+$0x20]  }
0x149: {  	p5 =	slt.s32 s24, s21;
	s26 =	simm.f32 $1.000000000e+00;
	v3 =	vadd.f32 v3, v4;
	vm0 =	vgt.f32 v5, v2  }
0x14a: {  	s26 =	simm.s32 @!p5 $0x0;
	v4 =	vsel vm0, $0x3F800000, v1  }
.Ltmp1:
0x14b: {  	vm0 =	veq.f32 v5, v2;
	v4 =	vadd.f32 v3, v4;
	v3 =	vmov s26;
	(pc) =	sbr.rel @p4 .LBB2_4-.Ltmp1, $4  }
0x14c: {  	v5 =	vnsel vm0, $0x0, v3;
	v3 =	vld [tilespmem:s25+$0x30]  }
0x14d: {  	p5 =	slt.s32 s24, s22;
	s26 =	simm.f32 $1.000000000e+00;
	v4 =	vadd.f32 v4, v5;
	vm0 =	vgt.f32 v6, v2  }
0x14e: {  	s26 =	simm.s32 @!p5 $0x0;
	v5 =	vsel vm0, $0x3F800000, v1  }
0x14f: {  	s25 =	sadd.s32 $0x80, s25;
	vm0 =	veq.f32 v6, v2;
	v4 =	vadd.f32 v4, v5;
	v5 =	vmov s26  }
0x150: {  	v5 =	vnsel vm0, $0x0, v5;
	v6 =	vld [tilespmem:$0x18700]  }
0x151: {  	p4 =	slt.s32 s24, s23;
	s17 =	simm.f32 $1.000000000e+00;
	v4 =	vadd.f32 v4, v5;
	vm0 =	vgt.f32 v3, v2  }
0x152: {  	s17 =	simm.s32 @!p4 $0x0;
	v5 =	vsel vm0, $0x3F800000, v1  }
0x153: {  	vm0 =	veq.f32 v3, v2;
	v3 =	vmov s17;
	v4 =	vadd.f32 v4, v5  }
0x154: {  	v3 =	vnsel vm0, $0x0, v3;
	v5 =	vld [tilespmem:$0x18710]  }
0x155: {  	p4 =	sgt.s32 s16, $0x1868;
	s16 =	simm.f32 $1.000000000e+00;
	v3 =	vadd.f32 v4, v3;
	vm0 =	vgt.f32 v6, v2  }
0x156: {  	s16 =	simm.s32 @!p4 $0x0;
	v4 =	vsel vm0, $0x3F800000, v1  }
0x157: {  	vm0 =	veq.f32 v6, v2;
	v3 =	vadd.f32 v4, v3;
	v4 =	vmov s16  }
0x158: {  	v4 =	vnsel vm0, $0x0, v4  }
0x159: {  	vm0 =	vgt.f32 v5, v2;
	v3 =	vadd.f32 v3, v4  }
0x15a: {  	v2 =	vsel vm0, $0x3F800000, v1  }
0x15b: {  	v2 =	vadd.f32 v3, v2;
	_ =	sdelay $0x1  }
0x15c: {  	[tilespmem:$0x18780] =	vst v2  }
0x15d: {  	[hbm4b:s7+s2] =	stream.linear.scatter [tilespmem:s14], [sflag:$0x1], $0x80, $0x38;
	[tilespmem:$0x18800] =	vst v63  }
0x15e: {  	_ =	swait.ge [sflag:s11], $0x80  }
0x15f: {  	[sflag:s11] =	ssyncset.done $0x0  }
0x160: {  	[sflag:s11] =	ssyncadd.s32 $0xFFFFFF80  }
0x161: {  	v2 =	vld [tilespmem:$0x0];
	_ =	sdelay $0x4  }
0x162: {  	(v2sf) =	vpush v2, $0x9  }
0x163: {  	(v2sf) =	vpush v2, $0x8  }
0x164: {  	(v2sf) =	vpush v2, $0x7  }
0x165: {  	(v2sf) =	vpush v2, $0x6  }
0x166: {  	(v2sf) =	vpush v2, $0x5  }
0x167: {  	(v2sf) =	vpush v2, $0x4  }
0x168: {  	(v2sf) =	vpush v2, $0x3  }
0x169: {  	(v2sf) =	vpush v2, $0x2;
	_ =	sdelay $0x6  }
0x16a: {  	[tilespmem:s13], [sflag:$0x1] =	stream.strided.gather [hbm4b:s8+s13], $0x18700, s12, s13, $0x38;
	[tilespmem:$0x18800] =	vst v63  }
0x16b: {  	s16 =	spop (v2sf)  }
0x16c: {  	s17 =	spop (v2sf)  }
0x16d: {  	s18 =	spop (v2sf)  }
0x16e: {  	s19 =	spop (v2sf)  }
0x16f: {  	s20 =	spop (v2sf)  }
0x170: {  	s25 =	sld [smem:$0x7FB];
	s21 =	spop (v2sf)  }
0x171: {  	s26 =	sld [smem:$0x7FC];
	s22 =	spop (v2sf)  }
0x172: {  	s28 =	sld [smem:$0x7FD];
	s23 =	spop (v2sf)  }
0x173: {  	p4 =	seq.s32 s25, $0x1;
	s23 =	simm.s32 @!p0 $0x0  }
0x174: {  	s23 =	smov.u32 @p4 s22;
	p4 =	seq.s32 s26, $0x1  }
0x175: {  	s23 =	smov.u32 @p4 s21;
	p4 =	seq.s32 s28, $0x1  }
0x176: {  	s23 =	smov.u32 @p4 s20  }
0x177: {  	s23 =	smov.u32 @p6 s19  }
0x178: {  	s23 =	smov.u32 @p1 s18  }
0x179: {  	s23 =	smov.u32 @p2 s17  }
0x17a: {  	s23 =	smov.u32 @p3 s16  }
0x17b: {  	p4 =	sgt.s32 s23, $0x0;
	s16 =	smov.u32 s23  }
0x17c: {  	s16 =	simm.s32 @!p4 $0x0  }
0x17d: {  	s29 =	smin.u32 s16, $0x1869F  }
0x17e: {  	s16 =	sand.u32 $0xF, s29  }
0x17f: {  	p4 =	slt.s32 s23, $0x1;
	p5 =	sne.s32 s16, $0x0  }
0x180: {  	p4 =	por !p4, !p5  }
0x181: {  	s16 =	simm.s32 $0x1;
	p4 =	por !p4, !p4  }
0x182: {  	_ =	swait.ge [sflag:s11], $0x18700;
	s30 =	sshrl.u32 s29, $0x4;
	s16 =	simm.s32 @!p4 $0x0  }
0x183: {  	[sflag:s11] =	ssyncset.done $0x0;
	s16 =	ssub.s32 s30, s16  }
0x184: {  	[sflag:s11] =	ssyncadd.s32 $0xFFFE7900;
	s18 =	sshll.u32 s16, $0x4  }
0x185: {  	v3 =	vld [tilespmem:s18+$0x80];
	_ =	sdelay $0x4  }
0x186: {  	(v2sf) =	vpush v3, $0x0  }
0x187: {  	(v2sf) =	vpush v3, $0x1;
	_ =	sdelay $0x1  }
0x188: {  	(v2sf) =	vpush v3, $0x2  }
0x189: {  	(v2sf) =	vpush v3, $0x3  }
0x18a: {  	(v2sf) =	vpush v3, $0x4  }
0x18b: {  	(v2sf) =	vpush v3, $0x5  }
0x18c: {  	(v2sf) =	vpush v3, $0x6  }
0x18d: {  	(v2sf) =	vpush v3, $0x7  }
0x18e: {  	(v2sf) =	vpush v3, $0x8  }
0x18f: {  	(v2sf) =	vpush v3, $0x9  }
0x190: {  	(v2sf) =	vpush v3, $0xA  }
0x191: {  	(v2sf) =	vpush v3, $0xB  }
0x192: {  	(v2sf) =	vpush v3, $0xC  }
0x193: {  	(v2sf) =	vpush v3, $0xD  }
0x194: {  	s19 =	spop (v2sf);
	(v2sf) =	vpush v3, $0xE  }
0x195: {  	s31 =	ssub.s32 s29, s18;
	p4 =	seq.s32 s29, s18;
	s21 =	spop (v2sf);
	(v2sf) =	vpush v3, $0xF  }
0x196: {  	s25 =	simm.s32 $0xC0;
	s19 =	simm.s32 @!p4 $0x0;
	p4 =	seq.s32 s31, $0x1  }
0x197: {  	s22 =	spop (v2sf);
	s19 =	smov.u32 @p4 s21;
	p4 =	seq.s32 s31, $0x2  }
0x198: {  	s23 =	spop (v2sf);
	s19 =	smov.u32 @p4 s22;
	p4 =	seq.s32 s31, $0x3  }
0x199: {  	s21 =	spop (v2sf);
	s19 =	smov.u32 @p4 s23;
	p4 =	seq.s32 s31, $0x4  }
0x19a: {  	s22 =	spop (v2sf);
	s19 =	smov.u32 @p4 s21;
	p4 =	seq.s32 s31, $0x5  }
0x19b: {  	s23 =	spop (v2sf);
	s19 =	smov.u32 @p4 s22;
	p4 =	seq.s32 s31, $0x6  }
0x19c: {  	s21 =	spop (v2sf);
	s19 =	smov.u32 @p4 s23;
	p4 =	seq.s32 s31, $0x7  }
0x19d: {  	s22 =	spop (v2sf);
	s19 =	smov.u32 @p4 s21;
	p4 =	seq.s32 s31, $0x8  }
0x19e: {  	s23 =	spop (v2sf);
	s19 =	smov.u32 @p4 s22;
	p4 =	seq.s32 s31, $0x9  }
0x19f: {  	s21 =	spop (v2sf);
	s19 =	smov.u32 @p4 s23;
	p4 =	seq.s32 s31, $0xA  }
0x1a0: {  	s22 =	spop (v2sf);
	s19 =	smov.u32 @p4 s21;
	p4 =	seq.s32 s31, $0xB  }
0x1a1: {  	s23 =	spop (v2sf);
	s19 =	smov.u32 @p4 s22;
	p4 =	seq.s32 s31, $0xC  }
0x1a2: {  	v4 =	vld [tilespmem:s25+$0xFFFFFFC0];
	v2 =	vmov s18;
	s21 =	spop (v2sf);
	s19 =	smov.u32 @p4 s23;
	p4 =	seq.s32 s31, $0xD  }
0x1a3: {  	v5 =	vmov s29;
	v2 =	vbroadcast v2, $0x0;
	s19 =	smov.u32 @p4 s21;
	p4 =	seq.s32 s31, $0xE;
	s18 =	spop (v2sf)  }
0x1a4: {  	v5 =	vbroadcast v5, $0x0;
	s19 =	smov.u32 @p4 s18;
	p4 =	seq.s32 s31, $0xF;
	s17 =	spop (v2sf)  }
0x1a5: {  	v6 =	vor.u32 v0, v2;
	s19 =	smov.u32 @p4 s17  }
0x1a6: {  	vm1 =	vlt.s32 v6, v5;
	v2 =	vmov s19;
	vm0 =	veq.f32 v3, s19;
	v3 =	vld [tilespmem:s25+$0xFFFFFFD0]  }
0x1a7: {  	p4 =	sgt.s32 s16, $0x0;
	s17 =	simm.f32 $1.000000000e+00;
	vm0 =	vmand vm0, vm1;
	vm1 =	vgt.f32 v4, v2  }
0x1a8: {  	s17 =	simm.s32 @!p4 $0x0;
	v5 =	vsel vm0, $0x3F800000, v1;
	v6 =	vsel vm1, $0x3F800000, v1  }
0x1a9: {  	vm0 =	veq.f32 v4, v2;
	v4 =	vmov s17;
	v5 =	vadd.f32 v6, v5  }
0x1aa: {  	s17 =	sadd.s32 $0xFFFFFFFF, s16;
	v4 =	vnsel vm0, $0x0, v4;
	v6 =	vld [tilespmem:s25+$0xFFFFFFE0]  }
0x1ab: {  	s18 =	simm.f32 $1.000000000e+00;
	p4 =	sgt.s32 s17, $0x0;
	v4 =	vadd.f32 v5, v4;
	vm0 =	vgt.f32 v3, v2  }
0x1ac: {  	s18 =	simm.s32 @!p4 $0x0;
	v5 =	vsel vm0, $0x3F800000, v1  }
0x1ad: {  	vm0 =	veq.f32 v3, v2;
	v3 =	vmov s18;
	v4 =	vadd.f32 v4, v5  }
0x1ae: {  	s18 =	sadd.s32 $0xFFFFFFFE, s16;
	v3 =	vnsel vm0, $0x0, v3;
	v5 =	vld [tilespmem:s25+$0xFFFFFFF0]  }
0x1af: {  	s19 =	simm.f32 $1.000000000e+00;
	p4 =	sgt.s32 s18, $0x0;
	vm0 =	vgt.f32 v6, v2;
	v3 =	vadd.f32 v4, v3  }
0x1b0: {  	s19 =	simm.s32 @!p4 $0x0;
	v4 =	vsel vm0, $0x3F800000, v1  }
0x1b1: {  	vm0 =	veq.f32 v6, v2;
	v3 =	vadd.f32 v3, v4;
	v4 =	vmov s19  }
0x1b2: {  	v6 =	vld [tilespmem:s25+$0x0];
	s19 =	sadd.s32 $0xFFFFFFFD, s16;
	v4 =	vnsel vm0, $0x0, v4  }
0x1b3: {  	s20 =	simm.f32 $1.000000000e+00;
	p4 =	sgt.s32 s19, $0x0;
	vm0 =	vgt.f32 v5, v2;
	v3 =	vadd.f32 v3, v4  }
0x1b4: {  	s20 =	simm.s32 @!p4 $0x0;
	v4 =	vsel vm0, $0x3F800000, v1  }
0x1b5: {  	vm0 =	veq.f32 v5, v2;
	v3 =	vadd.f32 v3, v4;
	v4 =	vmov s20  }
0x1b6: {  	v5 =	vld [tilespmem:s25+$0x10];
	s20 =	sadd.s32 $0xFFFFFFFC, s16;
	v4 =	vnsel vm0, $0x0, v4  }
0x1b7: {  	s21 =	simm.f32 $1.000000000e+00;
	p4 =	sgt.s32 s20, $0x0;
	vm0 =	vgt.f32 v6, v2;
	v3 =	vadd.f32 v3, v4  }
0x1b8: {  	s21 =	simm.s32 @!p4 $0x0;
	v4 =	vsel vm0, $0x3F800000, v1  }
0x1b9: {  	vm0 =	veq.f32 v6, v2;
	v3 =	vadd.f32 v3, v4;
	v4 =	vmov s21  }
0x1ba: {  	s21 =	sadd.s32 $0xFFFFFFFB, s16;
	v4 =	vnsel vm0, $0x0, v4  }
0x1bb: {  	s22 =	simm.f32 $1.000000000e+00;
	v6 =	vld [tilespmem:s25+$0x20];
	p4 =	sgt.s32 s21, $0x0;
	vm0 =	vgt.f32 v5, v2;
	v3 =	vadd.f32 v3, v4  }
0x1bc: {  	s22 =	simm.s32 @!p4 $0x0;
	v4 =	vsel vm0, $0x3F800000, v1  }
0x1bd: {  	vm0 =	veq.f32 v5, v2;
	v3 =	vadd.f32 v3, v4;
	v4 =	vmov s22  }
0x1be: {  	v4 =	vnsel vm0, $0x0, v4  }
0x1bf: {  	s22 =	sadd.s32 $0xFFFFFFFA, s16;
	v4 =	vadd.f32 v3, v4;
	v3 =	vld [tilespmem:s25+$0x30]  }
0x1c0: {  	s26 =	simm.f32 $1.000000000e+00;
	p4 =	sgt.s32 s22, $0x0;
	vm0 =	vgt.f32 v6, v2  }
0x1c1: {  	s26 =	simm.s32 @!p4 $0x0;
	v5 =	vsel vm0, $0x3F800000, v1  }
0x1c2: {  	s24 =	simm.s32 $0x0;
	s23 =	sadd.s32 $0xFFFFFFF9, s16;
	vm0 =	veq.f32 v6, v2;
	s25 =	simm.s32 $0x140;
	v4 =	vadd.f32 v4, v5;
	v5 =	vmov s26  }
.LBB2_6:
0x1c3: {  	v6 =	vld [tilespmem:s25+$0xFFFFFFC0];
	v5 =	vnsel vm0, $0x0, v5  }
0x1c4: {  	p4 =	slt.s32 s24, s23;
	s26 =	simm.f32 $1.000000000e+00;
	v4 =	vadd.f32 v4, v5;
	vm0 =	vgt.f32 v3, v2  }
0x1c5: {  	s26 =	simm.s32 @!p4 $0x0;
	v5 =	vsel vm0, $0x3F800000, v1  }
0x1c6: {  	vm0 =	veq.f32 v3, v2;
	v3 =	vmov s26;
	v4 =	vadd.f32 v4, v5  }
0x1c7: {  	s24 =	sadd.s32 $0x8, s24;
	v3 =	vnsel vm0, $0x0, v3;
	v5 =	vld [tilespmem:s25+$0xFFFFFFD0]  }
0x1c8: {  	p5 =	slt.s32 s24, s16;
	p4 =	slt.u32 s24, $0x1860;
	s26 =	simm.f32 $1.000000000e+00;
	vm0 =	vgt.f32 v6, v2;
	v3 =	vadd.f32 v4, v3  }
0x1c9: {  	s26 =	simm.s32 @!p5 $0x0;
	v4 =	vsel vm0, $0x3F800000, v1  }
0x1ca: {  	vm0 =	veq.f32 v6, v2;
	v3 =	vadd.f32 v4, v3;
	v4 =	vmov s26  }
0x1cb: {  	v4 =	vnsel vm0, $0x0, v4;
	v6 =	vld [tilespmem:s25+$0xFFFFFFE0]  }
0x1cc: {  	p5 =	slt.s32 s24, s17;
	s26 =	simm.f32 $1.000000000e+00;
	v3 =	vadd.f32 v3, v4;
	vm0 =	vgt.f32 v5, v2  }
0x1cd: {  	s26 =	simm.s32 @!p5 $0x0;
	v4 =	vsel vm0, $0x3F800000, v1  }
0x1ce: {  	vm0 =	veq.f32 v5, v2;
	v3 =	vadd.f32 v3, v4;
	v4 =	vmov s26  }
0x1cf: {  	v4 =	vnsel vm0, $0x0, v4;
	v5 =	vld [tilespmem:s25+$0xFFFFFFF0]  }
0x1d0: {  	p5 =	slt.s32 s24, s18;
	s26 =	simm.f32 $1.000000000e+00;
	v3 =	vadd.f32 v3, v4;
	vm0 =	vgt.f32 v6, v2  }
0x1d1: {  	s26 =	simm.s32 @!p5 $0x0;
	v4 =	vsel vm0, $0x3F800000, v1  }
0x1d2: {  	vm0 =	veq.f32 v6, v2;
	v3 =	vadd.f32 v3, v4;
	v4 =	vmov s26  }
0x1d3: {  	v4 =	vnsel vm0, $0x0, v4;
	v6 =	vld [tilespmem:s25+$0x0]  }
0x1d4: {  	p5 =	slt.s32 s24, s19;
	s26 =	simm.f32 $1.000000000e+00;
	v3 =	vadd.f32 v3, v4;
	vm0 =	vgt.f32 v5, v2  }
0x1d5: {  	s26 =	simm.s32 @!p5 $0x0;
	v4 =	vsel vm0, $0x3F800000, v1  }
0x1d6: {  	vm0 =	veq.f32 v5, v2;
	v3 =	vadd.f32 v3, v4;
	v4 =	vmov s26  }
0x1d7: {  	v4 =	vnsel vm0, $0x0, v4;
	v5 =	vld [tilespmem:s25+$0x10]  }
0x1d8: {  	p5 =	slt.s32 s24, s20;
	s26 =	simm.f32 $1.000000000e+00;
	v3 =	vadd.f32 v3, v4;
	vm0 =	vgt.f32 v6, v2  }
0x1d9: {  	s26 =	simm.s32 @!p5 $0x0;
	v4 =	vsel vm0, $0x3F800000, v1  }
0x1da: {  	vm0 =	veq.f32 v6, v2;
	v3 =	vadd.f32 v3, v4;
	v4 =	vmov s26  }
0x1db: {  	v4 =	vnsel vm0, $0x0, v4;
	v6 =	vld [tilespmem:s25+$0x20]  }
0x1dc: {  	p5 =	slt.s32 s24, s21;
	s26 =	simm.f32 $1.000000000e+00;
	v3 =	vadd.f32 v3, v4;
	vm0 =	vgt.f32 v5, v2  }
0x1dd: {  	s26 =	simm.s32 @!p5 $0x0;
	v4 =	vsel vm0, $0x3F800000, v1  }
.Ltmp2:
0x1de: {  	vm0 =	veq.f32 v5, v2;
	v4 =	vadd.f32 v3, v4;
	v3 =	vmov s26;
	(pc) =	sbr.rel @p4 .LBB2_6-.Ltmp2, $4  }
0x1df: {  	v5 =	vnsel vm0, $0x0, v3;
	v3 =	vld [tilespmem:s25+$0x30]  }
0x1e0: {  	p5 =	slt.s32 s24, s22;
	s26 =	simm.f32 $1.000000000e+00;
	v4 =	vadd.f32 v4, v5;
	vm0 =	vgt.f32 v6, v2  }
0x1e1: {  	s26 =	simm.s32 @!p5 $0x0;
	v5 =	vsel vm0, $0x3F800000, v1  }
0x1e2: {  	s25 =	sadd.s32 $0x80, s25;
	vm0 =	veq.f32 v6, v2;
	v4 =	vadd.f32 v4, v5;
	v5 =	vmov s26  }
0x1e3: {  	v5 =	vnsel vm0, $0x0, v5;
	v6 =	vld [tilespmem:$0x18700]  }
0x1e4: {  	p4 =	slt.s32 s24, s23;
	s17 =	simm.f32 $1.000000000e+00;
	v4 =	vadd.f32 v4, v5;
	vm11 =	vgt.f32 v3, v2  }
0x1e5: {  	s17 =	simm.s32 @!p4 $0x0;
	v60 =	vsel vm11, $0x3F800000, v1  }
0x1e6: {  	vm12 =	veq.f32 v3, v2;
	v3 =	vmov s17;
	v4 =	vadd.f32 v4, v60  }
0x1e7: {  	v61 =	vld [tilespmem:$0x18710];
	v3 =	vnsel vm12, $0x0, v3  }
0x1e8: {  	p4 =	sgt.s32 s16, $0x1868;
	s16 =	simm.f32 $1.000000000e+00;
	v3 =	vadd.f32 v4, v3;
	vm13 =	vgt.f32 v6, v2  }
0x1e9: {  	s16 =	simm.s32 @!p4 $0x0;
	v62 =	vsel vm13, $0x3F800000, v1  }
0x1ea: {  	v63 =	vmov s16;
	vm14 =	veq.f32 v6, v2;
	v3 =	vadd.f32 v62, v3  }
0x1eb: {  	v4 =	vnsel vm14, $0x0, v63  }
0x1ec: {  	vm15 =	vgt.f32 v61, v2;
	v3 =	vadd.f32 v3, v4  }
0x1ed: {  	v2 =	vsel vm15, $0x3F800000, v1  }
0x1ee: {  	s15 =	sadd.s32 $0x1, s15;
	v2 =	vadd.f32 v3, v2  }
0x1ef: {  	p4 =	sne.s32 s15, s10  }
.Ltmp3:
0x1f0: {  	[tilespmem:$0x18780] =	vst v2;
	(pc) =	sbr.rel @p4 .LBB2_1-.Ltmp3, $4  }
0x1f1: {  	[hbm4b:s9+s2] =	stream.linear.scatter [tilespmem:s14], [sflag:$0x1], $0x80, $0x38;
	[tilespmem:$0x18800] =	vst v63  }
0x1f2: {  	_ =	swait.ge [sflag:s11], $0x80  }
0x1f3: {  	[sflag:s11] =	ssyncset.done $0x0  }
0x1f4: {  	[sflag:s11] =	ssyncadd.s32 $0xFFFFFF80  }
0x1f5: {  	_ =	sfence.sel $0x180000  }
0x1f6: {  	[bflag:$0x0] =	sbarrier.arrive $0xFFFF  }
0x1f7: {  	p0 =	sne.s32 s0, $0x0;
	_ =	strace $0x90000047  }
0x1f8: {  	s0 =	sadd.s32 @!p0 $0x100000, s1;
	[bflag:$0x2] =	sbarrier.arrive $0xFFFF  }
0x1f9: {  	[sflag:s0] =	ssyncadd.tile.s32 @!p0 $0x1;
	_ =	shalt  }
.Lfunc_end2:
_tile_overlayer_lowered:
.L_overlay_start_2:
0x1fa: {  	(tag) =	ssettag $0x2  }
0x1fb: {  	s0 =	rddreg [dreg:$0x0];
	s2 =	stileid.u32  }
0x1fc: {  	s1 =	rddreg [dreg:$0x1];
	p0 =	sne.s32 s2, $0x0  }
0x1fd: {  	s3 =	rddreg [dreg:$0x2];
	[bflag:$0x3] =	sbarrier.arrive $0xFFFF;
	s2 =	simm.s32 @!p0 $0x1C01  }
0x1fe: {  	[timem:s3], [sflag:s2] =	dma.local @!p0 [hbm:s0], s1  }
0x1ff: {  	s0 =	simm.s32 @!p0 $0x1  }
0x200: {  	_ =	swait.ge @!p0 [sflag:s0], s1  }
0x201: {  	s1 =	ssub.s32 @!p0 $0x0, s1;
	[sflag:s0] =	ssyncset.done @!p0 $0x0  }
0x202: {  	[sflag:s0] =	ssyncadd.s32 @!p0 s1  }
0x203: {  	[bflag:$0x3] =	sbarrier.arrive $0xFFFF  }
0x204: {  	_ =	shalt  }

</sc_bundles>
